<compile_context>
chip_gen: v7x
topology: tpu7x:2x2x1
jax: 0.10.2.dev20260603
libtpu: 0.0.44.dev20260713+nightly
codegen_flags: <defaults>
</compile_context>

<pallas_src>
import functools

import jax
import jax.numpy as jnp
from jax import lax
from jax.experimental import pallas as pl
from jax.experimental.pallas import tpu as pltpu
from jax.experimental.pallas import tpu_sc as plsc

_NBUF = 5


def kernel(vocab_ids, table):
    bsz, hist = vocab_ids.shape
    _, d = table.shape

    info = plsc.get_sparse_core_info()
    nw = info.num_cores * info.num_subcores
    bpw = bsz // nw
    half = bpw // 2
    n_chunks = 2 * hist
    n_groups = n_chunks // _NBUF
    assert bpw * nw == bsz and half * 2 == bpw
    assert n_groups * _NBUF == n_chunks
    assert bpw <= 128

    idx = vocab_ids.astype(jnp.int32).T

    mesh = plsc.VectorSubcoreMesh(core_axis_name="c", subcore_axis_name="s")

    @functools.partial(
        pl.kernel,
        out_type=jax.ShapeDtypeStruct((hist, bsz, d), table.dtype),
        mesh=mesh,
        scratch_types=[
            pltpu.VMEM((hist, bpw), jnp.int32),
            pltpu.VMEM((_NBUF, half, d), jnp.float32),
            pltpu.SemaphoreType.DMA((_NBUF,)),
            pltpu.SemaphoreType.DMA((_NBUF,)),
        ],
        compiler_params=pltpu.CompilerParams(use_tc_tiling_on_sc=True),
    )
    def emb_lookup(idx_hbm, table_hbm, out_hbm, idx_v, bufs, gsem, wsem):
        wid = lax.axis_index("s") * info.num_cores + lax.axis_index("c")
        b0 = wid * bpw
        pltpu.sync_copy(idx_hbm.at[:, pl.ds(b0, bpw)], idx_v)

        def gather(c, b):
            return pltpu.make_async_copy(
                table_hbm.at[idx_v.at[c // 2, pl.ds((c % 2) * half, half)]],
                bufs.at[b], gsem.at[b])

        def write(c, b):
            return pltpu.make_async_copy(
                bufs.at[b],
                out_hbm.at[c // 2, pl.ds(b0 + (c % 2) * half, half)],
                wsem.at[b])

        for b in range(_NBUF):
            gather(b, b).start()

        @pl.loop(0, n_groups)
        def _(g):
            c0 = g * _NBUF
            for b in range(_NBUF):
                gather(c0 + b, b).wait()
                write(c0 + b, b).start()
            for b in range(_NBUF):
                write(c0 + b, b).wait()
                nxt = c0 + _NBUF + b

                @pl.when(nxt < n_chunks)
                def _():
                    gather(nxt, b).start()

    out = emb_lookup(idx, table)
    return out.transpose(1, 0, 2)

# --- scband reference (transcript-rebuilt; emitter-appended) ---
"""Pipeline reference for scband-embedding-layer-63445256896764 (READ-ONLY COPY).

The authoritative reference and input builder live on the scoring server;
editing this copy changes nothing except your own understanding.
"""

import jax, jax.numpy as jnp
import numpy as np

VOCAB_SIZE = 100000
EMBED_DIM = 128
PADDING_IDX = 0
BATCH = 4096
HIST_LEN = 50


def setup_inputs(seed: int = 0) -> dict:
    key = jax.random.key(seed)
    k_idx, k_tab = jax.random.split(key)
    vocab_ids = jax.random.randint(k_idx, (BATCH, HIST_LEN), 0, VOCAB_SIZE, dtype=jnp.int64 if jax.config.jax_enable_x64 else jnp.int32)
    # learned embedding lookup table (initialized per config.initializer; padding row zeroed)
    table = jax.random.normal(k_tab, (VOCAB_SIZE, EMBED_DIM), dtype=jnp.float32) * 0.02
    table = table.at[PADDING_IDX].set(0.0)
    return {"vocab_ids": vocab_ids, "table": table}


def reference(vocab_ids, table):
    # EmbeddingProcessType.FLAT path: plain embedding lookup with padding_idx row = 0
    emb = jnp.take(table, vocab_ids, axis=0)
    return emb

if __name__ == "__main__":
    import jax
    _d = setup_inputs()
    print(jax.jit(kernel)(*tuple(_d.values())))

</pallas_src>

<mosaic_0001>
#map = affine_map<(d0, d1) -> (0, 0)>
#map1 = affine_map<(d0, d1) -> (0, 0, 0)>
module attributes {stable_mosaic.version = 14 : i64} {
  func.func @emb_lookup(%arg0: i32, %arg1: i32, %arg2: memref<50x4096xi32, #tpu.memory_space<hbm>>, %arg3: memref<100000x128xf32, #tpu.memory_space<hbm>>, %arg4: memref<50x4096x128xf32, #tpu.memory_space<hbm>>, %arg5: memref<50x128xi32, #tpu.memory_space<vmem>>, %arg6: memref<5x64x128xf32, #tpu.memory_space<vmem>>, %arg7: memref<5x!tpu.dma_semaphore, #tpu.memory_space<semaphore_mem>>, %arg8: memref<5x!tpu.dma_semaphore, #tpu.memory_space<semaphore_mem>>) attributes {dimension_semantics = [#tpu.dimension_semantics<core_parallel>, #tpu.dimension_semantics<subcore_parallel>], iteration_bounds = array<i64: 2, 16>, scalar_prefetch = 0 : i64, scratch_operands = 4 : i64, tpu.core_type = #tpu.core_type<sc_vector_subcore>, window_params = [{transform_indices = #map}, {transform_indices = #map}, {transform_indices = #map1}]} {
    %mul3A = arith.constant 2 : i32
    %mul3A_0 = arith.muli %arg1, %mul3A : i32
    %add3A = arith.addi %mul3A_0, %arg0 : i32
    %mul3A_1 = arith.constant 128 : i32
    %mul3A_2 = arith.muli %add3A, %mul3A_1 : i32
    "tpu.region"() ({
      %run_scoped3A = tpu.sem_alloc : memref<!tpu.dma_semaphore, #tpu.memory_space<semaphore_mem>>
      %dma_start3A_81 = arith.constant 0 : i32
      %dma_start3A_82 = tpu.memref_slice %arg2[%dma_start3A_81, %mul3A_2] : memref<50x4096xi32, #tpu.memory_space<hbm>> -> memref<50x128xi32, #tpu.memory_space<hbm>>
      %dma_start3A_83 = arith.constant 0 : i32
      %dma_start3A_84 = tpu.memref_slice %arg2[%dma_start3A_83, %mul3A_2] : memref<50x4096xi32, #tpu.memory_space<hbm>> -> memref<50x128xi32, #tpu.memory_space<hbm>>
      tpu.enqueue_dma source(%dma_start3A_84 : memref<50x128xi32, #tpu.memory_space<hbm>>) target(%arg5 : memref<50x128xi32, #tpu.memory_space<vmem>>) target_semaphore(%run_scoped3A : memref<!tpu.dma_semaphore, #tpu.memory_space<semaphore_mem>>)
      %dma_wait3A = arith.constant 0 : i32
      %dma_wait3A_85 = tpu.memref_slice %arg2[%dma_wait3A, %mul3A_2] : memref<50x4096xi32, #tpu.memory_space<hbm>> -> memref<50x128xi32, #tpu.memory_space<hbm>>
      %dma_wait3A_86 = arith.constant 0 : i32
      %dma_wait3A_87 = tpu.memref_slice %arg2[%dma_wait3A_86, %mul3A_2] : memref<50x4096xi32, #tpu.memory_space<hbm>> -> memref<50x128xi32, #tpu.memory_space<hbm>>
      tpu.wait_dma2 semaphore(%run_scoped3A : memref<!tpu.dma_semaphore, #tpu.memory_space<semaphore_mem>>) src(%dma_wait3A_87 : memref<50x128xi32, #tpu.memory_space<hbm>>) dst(%arg5 : memref<50x128xi32, #tpu.memory_space<vmem>>)
      tpu.yield
    }) : () -> ()
    %dma_start3A = arith.constant 0 : i32
    %dma_start3A_3 = arith.constant 0 : i32
    %dma_start3A_4 = arith.constant 0 : i32
    %dma_start3A_5 = arith.constant 0 : i32
    %dma_start3A_6 = arith.constant 0 : i32
    %dma_start3A_7 = tpu.memref_slice %arg6[%dma_start3A_3, %dma_start3A_5, %dma_start3A_6] : memref<5x64x128xf32, #tpu.memory_space<vmem>> -> memref<1x64x128xf32, #tpu.memory_space<vmem>>
    %dma_start3A_8 = tpu.memref_squeeze %dma_start3A_7 : memref<1x64x128xf32, #tpu.memory_space<vmem>> -> memref<64x128xf32, #tpu.memory_space<vmem>>
    %dma_start3A_9 = arith.constant 0 : i32
    %dma_start3A_10 = tpu.memref_slice %arg5[%dma_start3A, %dma_start3A_9] : memref<50x128xi32, #tpu.memory_space<vmem>> -> memref<1x64xi32, #tpu.memory_space<vmem>>
    %dma_start3A_11 = tpu.memref_squeeze %dma_start3A_10 : memref<1x64xi32, #tpu.memory_space<vmem>> -> memref<64xi32, #tpu.memory_space<vmem>>
    %dma_start3A_12 = arith.constant 0 : i32
    %dma_start3A_13 = arith.constant 0 : i32
    %dma_start3A_14 = tpu.memref_slice %arg3[%dma_start3A_12, %dma_start3A_13] : memref<100000x128xf32, #tpu.memory_space<hbm>> -> memref<100000x128xf32, #tpu.memory_space<hbm>>
    %dma_start3A_15 = tpu.memref_slice %arg7[%dma_start3A_4] : memref<5x!tpu.dma_semaphore, #tpu.memory_space<semaphore_mem>> -> memref<1x!tpu.dma_semaphore, #tpu.memory_space<semaphore_mem>>
    %dma_start3A_16 = tpu.memref_squeeze %dma_start3A_15 : memref<1x!tpu.dma_semaphore, #tpu.memory_space<semaphore_mem>> -> memref<!tpu.dma_semaphore, #tpu.memory_space<semaphore_mem>>
    tpu.enqueue_indirect_dma source(%dma_start3A_14 : memref<100000x128xf32, #tpu.memory_space<hbm>>) target(%dma_start3A_8 : memref<64x128xf32, #tpu.memory_space<vmem>>) offsets(%dma_start3A_11 : memref<64xi32, #tpu.memory_space<vmem>>) semaphore(%dma_start3A_16 : memref<!tpu.dma_semaphore, #tpu.memory_space<semaphore_mem>>)
    %dma_start3A_17 = arith.constant 0 : i32
    %dma_start3A_18 = arith.constant 1 : i32
    %dma_start3A_19 = arith.constant 1 : i32
    %dma_start3A_20 = arith.constant 0 : i32
    %dma_start3A_21 = arith.constant 0 : i32
    %dma_start3A_22 = tpu.memref_slice %arg6[%dma_start3A_18, %dma_start3A_20, %dma_start3A_21] : memref<5x64x128xf32, #tpu.memory_space<vmem>> -> memref<1x64x128xf32, #tpu.memory_space<vmem>>
    %dma_start3A_23 = tpu.memref_squeeze %dma_start3A_22 : memref<1x64x128xf32, #tpu.memory_space<vmem>> -> memref<64x128xf32, #tpu.memory_space<vmem>>
    %dma_start3A_24 = arith.constant 64 : i32
    %dma_start3A_25 = tpu.memref_slice %arg5[%dma_start3A_17, %dma_start3A_24] : memref<50x128xi32, #tpu.memory_space<vmem>> -> memref<1x64xi32, #tpu.memory_space<vmem>>
    %dma_start3A_26 = tpu.memref_squeeze %dma_start3A_25 : memref<1x64xi32, #tpu.memory_space<vmem>> -> memref<64xi32, #tpu.memory_space<vmem>>
    %dma_start3A_27 = arith.constant 0 : i32
    %dma_start3A_28 = arith.constant 0 : i32
    %dma_start3A_29 = tpu.memref_slice %arg3[%dma_start3A_27, %dma_start3A_28] : memref<100000x128xf32, #tpu.memory_space<hbm>> -> memref<100000x128xf32, #tpu.memory_space<hbm>>
    %dma_start3A_30 = tpu.memref_slice %arg7[%dma_start3A_19] : memref<5x!tpu.dma_semaphore, #tpu.memory_space<semaphore_mem>> -> memref<1x!tpu.dma_semaphore, #tpu.memory_space<semaphore_mem>>
    %dma_start3A_31 = tpu.memref_squeeze %dma_start3A_30 : memref<1x!tpu.dma_semaphore, #tpu.memory_space<semaphore_mem>> -> memref<!tpu.dma_semaphore, #tpu.memory_space<semaphore_mem>>
    tpu.enqueue_indirect_dma source(%dma_start3A_29 : memref<100000x128xf32, #tpu.memory_space<hbm>>) target(%dma_start3A_23 : memref<64x128xf32, #tpu.memory_space<vmem>>) offsets(%dma_start3A_26 : memref<64xi32, #tpu.memory_space<vmem>>) semaphore(%dma_start3A_31 : memref<!tpu.dma_semaphore, #tpu.memory_space<semaphore_mem>>)
    %dma_start3A_32 = arith.constant 1 : i32
    %dma_start3A_33 = arith.constant 2 : i32
    %dma_start3A_34 = arith.constant 2 : i32
    %dma_start3A_35 = arith.constant 0 : i32
    %dma_start3A_36 = arith.constant 0 : i32
    %dma_start3A_37 = tpu.memref_slice %arg6[%dma_start3A_33, %dma_start3A_35, %dma_start3A_36] : memref<5x64x128xf32, #tpu.memory_space<vmem>> -> memref<1x64x128xf32, #tpu.memory_space<vmem>>
    %dma_start3A_38 = tpu.memref_squeeze %dma_start3A_37 : memref<1x64x128xf32, #tpu.memory_space<vmem>> -> memref<64x128xf32, #tpu.memory_space<vmem>>
    %dma_start3A_39 = arith.constant 0 : i32
    %dma_start3A_40 = tpu.memref_slice %arg5[%dma_start3A_32, %dma_start3A_39] : memref<50x128xi32, #tpu.memory_space<vmem>> -> memref<1x64xi32, #tpu.memory_space<vmem>>
    %dma_start3A_41 = tpu.memref_squeeze %dma_start3A_40 : memref<1x64xi32, #tpu.memory_space<vmem>> -> memref<64xi32, #tpu.memory_space<vmem>>
    %dma_start3A_42 = arith.constant 0 : i32
    %dma_start3A_43 = arith.constant 0 : i32
    %dma_start3A_44 = tpu.memref_slice %arg3[%dma_start3A_42, %dma_start3A_43] : memref<100000x128xf32, #tpu.memory_space<hbm>> -> memref<100000x128xf32, #tpu.memory_space<hbm>>
    %dma_start3A_45 = tpu.memref_slice %arg7[%dma_start3A_34] : memref<5x!tpu.dma_semaphore, #tpu.memory_space<semaphore_mem>> -> memref<1x!tpu.dma_semaphore, #tpu.memory_space<semaphore_mem>>
    %dma_start3A_46 = tpu.memref_squeeze %dma_start3A_45 : memref<1x!tpu.dma_semaphore, #tpu.memory_space<semaphore_mem>> -> memref<!tpu.dma_semaphore, #tpu.memory_space<semaphore_mem>>
    tpu.enqueue_indirect_dma source(%dma_start3A_44 : memref<100000x128xf32, #tpu.memory_space<hbm>>) target(%dma_start3A_38 : memref<64x128xf32, #tpu.memory_space<vmem>>) offsets(%dma_start3A_41 : memref<64xi32, #tpu.memory_space<vmem>>) semaphore(%dma_start3A_46 : memref<!tpu.dma_semaphore, #tpu.memory_space<semaphore_mem>>)
    %dma_start3A_47 = arith.constant 1 : i32
    %dma_start3A_48 = arith.constant 3 : i32
    %dma_start3A_49 = arith.constant 3 : i32
    %dma_start3A_50 = arith.constant 0 : i32
    %dma_start3A_51 = arith.constant 0 : i32
    %dma_start3A_52 = tpu.memref_slice %arg6[%dma_start3A_48, %dma_start3A_50, %dma_start3A_51] : memref<5x64x128xf32, #tpu.memory_space<vmem>> -> memref<1x64x128xf32, #tpu.memory_space<vmem>>
    %dma_start3A_53 = tpu.memref_squeeze %dma_start3A_52 : memref<1x64x128xf32, #tpu.memory_space<vmem>> -> memref<64x128xf32, #tpu.memory_space<vmem>>
    %dma_start3A_54 = arith.constant 64 : i32
    %dma_start3A_55 = tpu.memref_slice %arg5[%dma_start3A_47, %dma_start3A_54] : memref<50x128xi32, #tpu.memory_space<vmem>> -> memref<1x64xi32, #tpu.memory_space<vmem>>
    %dma_start3A_56 = tpu.memref_squeeze %dma_start3A_55 : memref<1x64xi32, #tpu.memory_space<vmem>> -> memref<64xi32, #tpu.memory_space<vmem>>
    %dma_start3A_57 = arith.constant 0 : i32
    %dma_start3A_58 = arith.constant 0 : i32
    %dma_start3A_59 = tpu.memref_slice %arg3[%dma_start3A_57, %dma_start3A_58] : memref<100000x128xf32, #tpu.memory_space<hbm>> -> memref<100000x128xf32, #tpu.memory_space<hbm>>
    %dma_start3A_60 = tpu.memref_slice %arg7[%dma_start3A_49] : memref<5x!tpu.dma_semaphore, #tpu.memory_space<semaphore_mem>> -> memref<1x!tpu.dma_semaphore, #tpu.memory_space<semaphore_mem>>
    %dma_start3A_61 = tpu.memref_squeeze %dma_start3A_60 : memref<1x!tpu.dma_semaphore, #tpu.memory_space<semaphore_mem>> -> memref<!tpu.dma_semaphore, #tpu.memory_space<semaphore_mem>>
    tpu.enqueue_indirect_dma source(%dma_start3A_59 : memref<100000x128xf32, #tpu.memory_space<hbm>>) target(%dma_start3A_53 : memref<64x128xf32, #tpu.memory_space<vmem>>) offsets(%dma_start3A_56 : memref<64xi32, #tpu.memory_space<vmem>>) semaphore(%dma_start3A_61 : memref<!tpu.dma_semaphore, #tpu.memory_space<semaphore_mem>>)
    %dma_start3A_62 = arith.constant 2 : i32
    %dma_start3A_63 = arith.constant 4 : i32
    %dma_start3A_64 = arith.constant 4 : i32
    %dma_start3A_65 = arith.constant 0 : i32
    %dma_start3A_66 = arith.constant 0 : i32
    %dma_start3A_67 = tpu.memref_slice %arg6[%dma_start3A_63, %dma_start3A_65, %dma_start3A_66] : memref<5x64x128xf32, #tpu.memory_space<vmem>> -> memref<1x64x128xf32, #tpu.memory_space<vmem>>
    %dma_start3A_68 = tpu.memref_squeeze %dma_start3A_67 : memref<1x64x128xf32, #tpu.memory_space<vmem>> -> memref<64x128xf32, #tpu.memory_space<vmem>>
    %dma_start3A_69 = arith.constant 0 : i32
    %dma_start3A_70 = tpu.memref_slice %arg5[%dma_start3A_62, %dma_start3A_69] : memref<50x128xi32, #tpu.memory_space<vmem>> -> memref<1x64xi32, #tpu.memory_space<vmem>>
    %dma_start3A_71 = tpu.memref_squeeze %dma_start3A_70 : memref<1x64xi32, #tpu.memory_space<vmem>> -> memref<64xi32, #tpu.memory_space<vmem>>
    %dma_start3A_72 = arith.constant 0 : i32
    %dma_start3A_73 = arith.constant 0 : i32
    %dma_start3A_74 = tpu.memref_slice %arg3[%dma_start3A_72, %dma_start3A_73] : memref<100000x128xf32, #tpu.memory_space<hbm>> -> memref<100000x128xf32, #tpu.memory_space<hbm>>
    %dma_start3A_75 = tpu.memref_slice %arg7[%dma_start3A_64] : memref<5x!tpu.dma_semaphore, #tpu.memory_space<semaphore_mem>> -> memref<1x!tpu.dma_semaphore, #tpu.memory_space<semaphore_mem>>
    %dma_start3A_76 = tpu.memref_squeeze %dma_start3A_75 : memref<1x!tpu.dma_semaphore, #tpu.memory_space<semaphore_mem>> -> memref<!tpu.dma_semaphore, #tpu.memory_space<semaphore_mem>>
    tpu.enqueue_indirect_dma source(%dma_start3A_74 : memref<100000x128xf32, #tpu.memory_space<hbm>>) target(%dma_start3A_68 : memref<64x128xf32, #tpu.memory_space<vmem>>) offsets(%dma_start3A_71 : memref<64xi32, #tpu.memory_space<vmem>>) semaphore(%dma_start3A_76 : memref<!tpu.dma_semaphore, #tpu.memory_space<semaphore_mem>>)
    %scan3A = arith.constant 0 : i32
    %scan3A_77 = arith.constant 20 : i32
    %scan3A_78 = arith.addi %scan3A, %scan3A_77 : i32
    %scan3A_79 = arith.constant 1 : i32
    scf.for %scan3A_81 = %scan3A to %scan3A_78 step %scan3A_79  : i32 {
      %mul3A_82 = arith.constant 1 : i32
      %mul3A_83 = arith.muli %scan3A_81, %mul3A_82 : i32
      %add3A_84 = arith.constant 0 : i32
      %add3A_85 = arith.addi %add3A_84, %mul3A_83 : i32
      %mul3A_86 = arith.constant 5 : i32
      %mul3A_87 = arith.muli %add3A_85, %mul3A_86 : i32
      %add3A_88 = arith.constant 0 : i32
      %add3A_89 = arith.addi %mul3A_87, %add3A_88 : i32
      %jit3A = arith.constant 2 : i32
      %div3A = arith.divsi %add3A_89, %jit3A : i32
      %sign3A = arith.constant 0 : i32
      %sign3A_90 = arith.cmpi sgt, %add3A_89, %sign3A : i32
      %sign3A_91 = arith.extui %sign3A_90 : i1 to i32
      %sign3A_92 = arith.constant 0 : i32
      %sign3A_93 = arith.cmpi slt, %add3A_89, %sign3A_92 : i32
      %sign3A_94 = arith.extui %sign3A_93 : i1 to i32
      %sign3A_95 = arith.subi %sign3A_91, %sign3A_94 : i32
      %sign3A_96 = arith.constant 0 : i32
      %sign3A_97 = arith.cmpi sgt, %jit3A, %sign3A_96 : i32
      %sign3A_98 = arith.extui %sign3A_97 : i1 to i32
      %sign3A_99 = arith.constant 0 : i32
      %sign3A_100 = arith.cmpi slt, %jit3A, %sign3A_99 : i32
      %sign3A_101 = arith.extui %sign3A_100 : i1 to i32
      %sign3A_102 = arith.subi %sign3A_98, %sign3A_101 : i32
      %ne3A = arith.cmpi ne, %sign3A_95, %sign3A_102 : i32
      %rem3A = arith.remsi %add3A_89, %jit3A : i32
      %ne3A_103 = arith.constant 0 : i32
      %ne3A_104 = arith.cmpi ne, %rem3A, %ne3A_103 : i32
      %and3A = arith.andi %ne3A, %ne3A_104 : i1
      %sub3A = arith.constant 1 : i32
      %sub3A_105 = arith.subi %div3A, %sub3A : i32
      %select_n3A = arith.select %and3A, %sub3A_105, %div3A : i32
      %jit3A_106 = arith.constant 2 : i32
      %eq3A = arith.constant 0 : i32
      %eq3A_107 = arith.cmpi eq, %jit3A_106, %eq3A : i32
      %jit3A_108 = arith.constant 1 : i32
      %select_n3A_109 = arith.select %eq3A_107, %jit3A_108, %jit3A_106 : i32
      %rem3A_110 = arith.remsi %add3A_89, %select_n3A_109 : i32
      %ne3A_111 = arith.constant 0 : i32
      %ne3A_112 = arith.cmpi ne, %rem3A_110, %ne3A_111 : i32
      %lt3A = arith.constant 0 : i32
      %lt3A_113 = arith.cmpi slt, %rem3A_110, %lt3A : i32
      %lt3A_114 = arith.constant 0 : i32
      %lt3A_115 = arith.cmpi slt, %select_n3A_109, %lt3A_114 : i32
      %ne3A_116 = arith.xori %lt3A_113, %lt3A_115 : i1
      %and3A_117 = arith.andi %ne3A_116, %ne3A_112 : i1
      %add3A_118 = arith.addi %rem3A_110, %select_n3A_109 : i32
      %select_n3A_119 = arith.select %and3A_117, %add3A_118, %rem3A_110 : i32
      %mul3A_120 = arith.constant 64 : i32
      %mul3A_121 = arith.muli %select_n3A_119, %mul3A_120 : i32
      %dma_wait3A = arith.constant 0 : i32
      %dma_wait3A_122 = arith.constant 0 : i32
      %dma_wait3A_123 = arith.constant 0 : i32
      %dma_wait3A_124 = arith.constant 0 : i32
      %dma_wait3A_125 = tpu.memref_slice %arg6[%dma_wait3A, %dma_wait3A_123, %dma_wait3A_124] : memref<5x64x128xf32, #tpu.memory_space<vmem>> -> memref<1x64x128xf32, #tpu.memory_space<vmem>>
      %dma_wait3A_126 = tpu.memref_squeeze %dma_wait3A_125 : memref<1x64x128xf32, #tpu.memory_space<vmem>> -> memref<64x128xf32, #tpu.memory_space<vmem>>
      %dma_wait3A_127 = tpu.memref_slice %arg5[%select_n3A, %mul3A_121] : memref<50x128xi32, #tpu.memory_space<vmem>> -> memref<1x64xi32, #tpu.memory_space<vmem>>
      %dma_wait3A_128 = tpu.memref_squeeze %dma_wait3A_127 : memref<1x64xi32, #tpu.memory_space<vmem>> -> memref<64xi32, #tpu.memory_space<vmem>>
      %dma_wait3A_129 = arith.constant 0 : i32
      %dma_wait3A_130 = arith.constant 0 : i32
      %dma_wait3A_131 = tpu.memref_slice %arg3[%dma_wait3A_129, %dma_wait3A_130] : memref<100000x128xf32, #tpu.memory_space<hbm>> -> memref<100000x128xf32, #tpu.memory_space<hbm>>
      %dma_wait3A_132 = tpu.memref_slice %arg7[%dma_wait3A_122] : memref<5x!tpu.dma_semaphore, #tpu.memory_space<semaphore_mem>> -> memref<1x!tpu.dma_semaphore, #tpu.memory_space<semaphore_mem>>
      %dma_wait3A_133 = tpu.memref_squeeze %dma_wait3A_132 : memref<1x!tpu.dma_semaphore, #tpu.memory_space<semaphore_mem>> -> memref<!tpu.dma_semaphore, #tpu.memory_space<semaphore_mem>>
      tpu.wait_indirect_dma semaphore(%dma_wait3A_133 : memref<!tpu.dma_semaphore, #tpu.memory_space<semaphore_mem>>) src(%dma_wait3A_131 : memref<100000x128xf32, #tpu.memory_space<hbm>>) dst(%dma_wait3A_126 : memref<64x128xf32, #tpu.memory_space<vmem>>)
      %add3A_134 = arith.constant 0 : i32
      %add3A_135 = arith.addi %mul3A_87, %add3A_134 : i32
      %jit3A_136 = arith.constant 2 : i32
      %div3A_137 = arith.divsi %add3A_135, %jit3A_136 : i32
      %sign3A_138 = arith.constant 0 : i32
      %sign3A_139 = arith.cmpi sgt, %add3A_135, %sign3A_138 : i32
      %sign3A_140 = arith.extui %sign3A_139 : i1 to i32
      %sign3A_141 = arith.constant 0 : i32
      %sign3A_142 = arith.cmpi slt, %add3A_135, %sign3A_141 : i32
      %sign3A_143 = arith.extui %sign3A_142 : i1 to i32
      %sign3A_144 = arith.subi %sign3A_140, %sign3A_143 : i32
      %sign3A_145 = arith.constant 0 : i32
      %sign3A_146 = arith.cmpi sgt, %jit3A_136, %sign3A_145 : i32
      %sign3A_147 = arith.extui %sign3A_146 : i1 to i32
      %sign3A_148 = arith.constant 0 : i32
      %sign3A_149 = arith.cmpi slt, %jit3A_136, %sign3A_148 : i32
      %sign3A_150 = arith.extui %sign3A_149 : i1 to i32
      %sign3A_151 = arith.subi %sign3A_147, %sign3A_150 : i32
      %ne3A_152 = arith.cmpi ne, %sign3A_144, %sign3A_151 : i32
      %rem3A_153 = arith.remsi %add3A_135, %jit3A_136 : i32
      %ne3A_154 = arith.constant 0 : i32
      %ne3A_155 = arith.cmpi ne, %rem3A_153, %ne3A_154 : i32
      %and3A_156 = arith.andi %ne3A_152, %ne3A_155 : i1
      %sub3A_157 = arith.constant 1 : i32
      %sub3A_158 = arith.subi %div3A_137, %sub3A_157 : i32
      %select_n3A_159 = arith.select %and3A_156, %sub3A_158, %div3A_137 : i32
      %jit3A_160 = arith.constant 2 : i32
      %eq3A_161 = arith.constant 0 : i32
      %eq3A_162 = arith.cmpi eq, %jit3A_160, %eq3A_161 : i32
      %jit3A_163 = arith.constant 1 : i32
      %select_n3A_164 = arith.select %eq3A_162, %jit3A_163, %jit3A_160 : i32
      %rem3A_165 = arith.remsi %add3A_135, %select_n3A_164 : i32
      %ne3A_166 = arith.constant 0 : i32
      %ne3A_167 = arith.cmpi ne, %rem3A_165, %ne3A_166 : i32
      %lt3A_168 = arith.constant 0 : i32
      %lt3A_169 = arith.cmpi slt, %rem3A_165, %lt3A_168 : i32
      %lt3A_170 = arith.constant 0 : i32
      %lt3A_171 = arith.cmpi slt, %select_n3A_164, %lt3A_170 : i32
      %ne3A_172 = arith.xori %lt3A_169, %lt3A_171 : i1
      %and3A_173 = arith.andi %ne3A_172, %ne3A_167 : i1
      %add3A_174 = arith.addi %rem3A_165, %select_n3A_164 : i32
      %select_n3A_175 = arith.select %and3A_173, %add3A_174, %rem3A_165 : i32
      %mul3A_176 = arith.constant 64 : i32
      %mul3A_177 = arith.muli %select_n3A_175, %mul3A_176 : i32
      %add3A_178 = arith.addi %mul3A_2, %mul3A_177 : i32
      %dma_start3A_179 = arith.constant 0 : i32
      %dma_start3A_180 = arith.constant 0 : i32
      %dma_start3A_181 = arith.constant 0 : i32
      %dma_start3A_182 = arith.constant 0 : i32
      %dma_start3A_183 = tpu.memref_slice %arg6[%dma_start3A_179, %dma_start3A_181, %dma_start3A_182] : memref<5x64x128xf32, #tpu.memory_space<vmem>> -> memref<1x64x128xf32, #tpu.memory_space<vmem>>
      %dma_start3A_184 = tpu.memref_squeeze %dma_start3A_183 : memref<1x64x128xf32, #tpu.memory_space<vmem>> -> memref<64x128xf32, #tpu.memory_space<vmem>>
      %dma_start3A_185 = arith.constant 0 : i32
      %dma_start3A_186 = tpu.memref_slice %arg4[%select_n3A_159, %add3A_178, %dma_start3A_185] : memref<50x4096x128xf32, #tpu.memory_space<hbm>> -> memref<1x64x128xf32, #tpu.memory_space<hbm>>
      %dma_start3A_187 = tpu.memref_squeeze %dma_start3A_186 : memref<1x64x128xf32, #tpu.memory_space<hbm>> -> memref<64x128xf32, #tpu.memory_space<hbm>>
      %dma_start3A_188 = tpu.memref_slice %arg8[%dma_start3A_180] : memref<5x!tpu.dma_semaphore, #tpu.memory_space<semaphore_mem>> -> memref<1x!tpu.dma_semaphore, #tpu.memory_space<semaphore_mem>>
      %dma_start3A_189 = tpu.memref_squeeze %dma_start3A_188 : memref<1x!tpu.dma_semaphore, #tpu.memory_space<semaphore_mem>> -> memref<!tpu.dma_semaphore, #tpu.memory_space<semaphore_mem>>
      %dma_start3A_190 = arith.constant 0 : i32
      %dma_start3A_191 = tpu.memref_slice %arg4[%select_n3A_159, %add3A_178, %dma_start3A_190] : memref<50x4096x128xf32, #tpu.memory_space<hbm>> -> memref<1x64x128xf32, #tpu.memory_space<hbm>>
      %dma_start3A_192 = tpu.memref_squeeze %dma_start3A_191 : memref<1x64x128xf32, #tpu.memory_space<hbm>> -> memref<64x128xf32, #tpu.memory_space<hbm>>
      %dma_start3A_193 = arith.constant 0 : i32
      %dma_start3A_194 = arith.constant 0 : i32
      %dma_start3A_195 = tpu.memref_slice %arg6[%dma_start3A_179, %dma_start3A_193, %dma_start3A_194] : memref<5x64x128xf32, #tpu.memory_space<vmem>> -> memref<1x64x128xf32, #tpu.memory_space<vmem>>
      %dma_start3A_196 = tpu.memref_squeeze %dma_start3A_195 : memref<1x64x128xf32, #tpu.memory_space<vmem>> -> memref<64x128xf32, #tpu.memory_space<vmem>>
      tpu.enqueue_dma source(%dma_start3A_196 : memref<64x128xf32, #tpu.memory_space<vmem>>) target(%dma_start3A_192 : memref<64x128xf32, #tpu.memory_space<hbm>>) target_semaphore(%dma_start3A_189 : memref<!tpu.dma_semaphore, #tpu.memory_space<semaphore_mem>>)
      %add3A_197 = arith.constant 1 : i32
      %add3A_198 = arith.addi %mul3A_87, %add3A_197 : i32
      %jit3A_199 = arith.constant 2 : i32
      %div3A_200 = arith.divsi %add3A_198, %jit3A_199 : i32
      %sign3A_201 = arith.constant 0 : i32
      %sign3A_202 = arith.cmpi sgt, %add3A_198, %sign3A_201 : i32
      %sign3A_203 = arith.extui %sign3A_202 : i1 to i32
      %sign3A_204 = arith.constant 0 : i32
      %sign3A_205 = arith.cmpi slt, %add3A_198, %sign3A_204 : i32
      %sign3A_206 = arith.extui %sign3A_205 : i1 to i32
      %sign3A_207 = arith.subi %sign3A_203, %sign3A_206 : i32
      %sign3A_208 = arith.constant 0 : i32
      %sign3A_209 = arith.cmpi sgt, %jit3A_199, %sign3A_208 : i32
      %sign3A_210 = arith.extui %sign3A_209 : i1 to i32
      %sign3A_211 = arith.constant 0 : i32
      %sign3A_212 = arith.cmpi slt, %jit3A_199, %sign3A_211 : i32
      %sign3A_213 = arith.extui %sign3A_212 : i1 to i32
      %sign3A_214 = arith.subi %sign3A_210, %sign3A_213 : i32
      %ne3A_215 = arith.cmpi ne, %sign3A_207, %sign3A_214 : i32
      %rem3A_216 = arith.remsi %add3A_198, %jit3A_199 : i32
      %ne3A_217 = arith.constant 0 : i32
      %ne3A_218 = arith.cmpi ne, %rem3A_216, %ne3A_217 : i32
      %and3A_219 = arith.andi %ne3A_215, %ne3A_218 : i1
      %sub3A_220 = arith.constant 1 : i32
      %sub3A_221 = arith.subi %div3A_200, %sub3A_220 : i32
      %select_n3A_222 = arith.select %and3A_219, %sub3A_221, %div3A_200 : i32
      %jit3A_223 = arith.constant 2 : i32
      %eq3A_224 = arith.constant 0 : i32
      %eq3A_225 = arith.cmpi eq, %jit3A_223, %eq3A_224 : i32
      %jit3A_226 = arith.constant 1 : i32
      %select_n3A_227 = arith.select %eq3A_225, %jit3A_226, %jit3A_223 : i32
      %rem3A_228 = arith.remsi %add3A_198, %select_n3A_227 : i32
      %ne3A_229 = arith.constant 0 : i32
      %ne3A_230 = arith.cmpi ne, %rem3A_228, %ne3A_229 : i32
      %lt3A_231 = arith.constant 0 : i32
      %lt3A_232 = arith.cmpi slt, %rem3A_228, %lt3A_231 : i32
      %lt3A_233 = arith.constant 0 : i32
      %lt3A_234 = arith.cmpi slt, %select_n3A_227, %lt3A_233 : i32
      %ne3A_235 = arith.xori %lt3A_232, %lt3A_234 : i1
      %and3A_236 = arith.andi %ne3A_235, %ne3A_230 : i1
      %add3A_237 = arith.addi %rem3A_228, %select_n3A_227 : i32
      %select_n3A_238 = arith.select %and3A_236, %add3A_237, %rem3A_228 : i32
      %mul3A_239 = arith.constant 64 : i32
      %mul3A_240 = arith.muli %select_n3A_238, %mul3A_239 : i32
      %dma_wait3A_241 = arith.constant 1 : i32
      %dma_wait3A_242 = arith.constant 1 : i32
      %dma_wait3A_243 = arith.constant 0 : i32
      %dma_wait3A_244 = arith.constant 0 : i32
      %dma_wait3A_245 = tpu.memref_slice %arg6[%dma_wait3A_241, %dma_wait3A_243, %dma_wait3A_244] : memref<5x64x128xf32, #tpu.memory_space<vmem>> -> memref<1x64x128xf32, #tpu.memory_space<vmem>>
      %dma_wait3A_246 = tpu.memref_squeeze %dma_wait3A_245 : memref<1x64x128xf32, #tpu.memory_space<vmem>> -> memref<64x128xf32, #tpu.memory_space<vmem>>
      %dma_wait3A_247 = tpu.memref_slice %arg5[%select_n3A_222, %mul3A_240] : memref<50x128xi32, #tpu.memory_space<vmem>> -> memref<1x64xi32, #tpu.memory_space<vmem>>
      %dma_wait3A_248 = tpu.memref_squeeze %dma_wait3A_247 : memref<1x64xi32, #tpu.memory_space<vmem>> -> memref<64xi32, #tpu.memory_space<vmem>>
      %dma_wait3A_249 = arith.constant 0 : i32
      %dma_wait3A_250 = arith.constant 0 : i32
      %dma_wait3A_251 = tpu.memref_slice %arg3[%dma_wait3A_249, %dma_wait3A_250] : memref<100000x128xf32, #tpu.memory_space<hbm>> -> memref<100000x128xf32, #tpu.memory_space<hbm>>
      %dma_wait3A_252 = tpu.memref_slice %arg7[%dma_wait3A_242] : memref<5x!tpu.dma_semaphore, #tpu.memory_space<semaphore_mem>> -> memref<1x!tpu.dma_semaphore, #tpu.memory_space<semaphore_mem>>
      %dma_wait3A_253 = tpu.memref_squeeze %dma_wait3A_252 : memref<1x!tpu.dma_semaphore, #tpu.memory_space<semaphore_mem>> -> memref<!tpu.dma_semaphore, #tpu.memory_space<semaphore_mem>>
      tpu.wait_indirect_dma semaphore(%dma_wait3A_253 : memref<!tpu.dma_semaphore, #tpu.memory_space<semaphore_mem>>) src(%dma_wait3A_251 : memref<100000x128xf32, #tpu.memory_space<hbm>>) dst(%dma_wait3A_246 : memref<64x128xf32, #tpu.memory_space<vmem>>)
      %add3A_254 = arith.constant 1 : i32
      %add3A_255 = arith.addi %mul3A_87, %add3A_254 : i32
      %jit3A_256 = arith.constant 2 : i32
      %div3A_257 = arith.divsi %add3A_255, %jit3A_256 : i32
      %sign3A_258 = arith.constant 0 : i32
      %sign3A_259 = arith.cmpi sgt, %add3A_255, %sign3A_258 : i32
      %sign3A_260 = arith.extui %sign3A_259 : i1 to i32
      %sign3A_261 = arith.constant 0 : i32
      %sign3A_262 = arith.cmpi slt, %add3A_255, %sign3A_261 : i32
      %sign3A_263 = arith.extui %sign3A_262 : i1 to i32
      %sign3A_264 = arith.subi %sign3A_260, %sign3A_263 : i32
      %sign3A_265 = arith.constant 0 : i32
      %sign3A_266 = arith.cmpi sgt, %jit3A_256, %sign3A_265 : i32
      %sign3A_267 = arith.extui %sign3A_266 : i1 to i32
      %sign3A_268 = arith.constant 0 : i32
      %sign3A_269 = arith.cmpi slt, %jit3A_256, %sign3A_268 : i32
      %sign3A_270 = arith.extui %sign3A_269 : i1 to i32
      %sign3A_271 = arith.subi %sign3A_267, %sign3A_270 : i32
      %ne3A_272 = arith.cmpi ne, %sign3A_264, %sign3A_271 : i32
      %rem3A_273 = arith.remsi %add3A_255, %jit3A_256 : i32
      %ne3A_274 = arith.constant 0 : i32
      %ne3A_275 = arith.cmpi ne, %rem3A_273, %ne3A_274 : i32
      %and3A_276 = arith.andi %ne3A_272, %ne3A_275 : i1
      %sub3A_277 = arith.constant 1 : i32
      %sub3A_278 = arith.subi %div3A_257, %sub3A_277 : i32
      %select_n3A_279 = arith.select %and3A_276, %sub3A_278, %div3A_257 : i32
      %jit3A_280 = arith.constant 2 : i32
      %eq3A_281 = arith.constant 0 : i32
      %eq3A_282 = arith.cmpi eq, %jit3A_280, %eq3A_281 : i32
      %jit3A_283 = arith.constant 1 : i32
      %select_n3A_284 = arith.select %eq3A_282, %jit3A_283, %jit3A_280 : i32
      %rem3A_285 = arith.remsi %add3A_255, %select_n3A_284 : i32
      %ne3A_286 = arith.constant 0 : i32
      %ne3A_287 = arith.cmpi ne, %rem3A_285, %ne3A_286 : i32
      %lt3A_288 = arith.constant 0 : i32
      %lt3A_289 = arith.cmpi slt, %rem3A_285, %lt3A_288 : i32
      %lt3A_290 = arith.constant 0 : i32
      %lt3A_291 = arith.cmpi slt, %select_n3A_284, %lt3A_290 : i32
      %ne3A_292 = arith.xori %lt3A_289, %lt3A_291 : i1
      %and3A_293 = arith.andi %ne3A_292, %ne3A_287 : i1
      %add3A_294 = arith.addi %rem3A_285, %select_n3A_284 : i32
      %select_n3A_295 = arith.select %and3A_293, %add3A_294, %rem3A_285 : i32
      %mul3A_296 = arith.constant 64 : i32
      %mul3A_297 = arith.muli %select_n3A_295, %mul3A_296 : i32
      %add3A_298 = arith.addi %mul3A_2, %mul3A_297 : i32
      %dma_start3A_299 = arith.constant 1 : i32
      %dma_start3A_300 = arith.constant 1 : i32
      %dma_start3A_301 = arith.constant 0 : i32
      %dma_start3A_302 = arith.constant 0 : i32
      %dma_start3A_303 = tpu.memref_slice %arg6[%dma_start3A_299, %dma_start3A_301, %dma_start3A_302] : memref<5x64x128xf32, #tpu.memory_space<vmem>> -> memref<1x64x128xf32, #tpu.memory_space<vmem>>
      %dma_start3A_304 = tpu.memref_squeeze %dma_start3A_303 : memref<1x64x128xf32, #tpu.memory_space<vmem>> -> memref<64x128xf32, #tpu.memory_space<vmem>>
      %dma_start3A_305 = arith.constant 0 : i32
      %dma_start3A_306 = tpu.memref_slice %arg4[%select_n3A_279, %add3A_298, %dma_start3A_305] : memref<50x4096x128xf32, #tpu.memory_space<hbm>> -> memref<1x64x128xf32, #tpu.memory_space<hbm>>
      %dma_start3A_307 = tpu.memref_squeeze %dma_start3A_306 : memref<1x64x128xf32, #tpu.memory_space<hbm>> -> memref<64x128xf32, #tpu.memory_space<hbm>>
      %dma_start3A_308 = tpu.memref_slice %arg8[%dma_start3A_300] : memref<5x!tpu.dma_semaphore, #tpu.memory_space<semaphore_mem>> -> memref<1x!tpu.dma_semaphore, #tpu.memory_space<semaphore_mem>>
      %dma_start3A_309 = tpu.memref_squeeze %dma_start3A_308 : memref<1x!tpu.dma_semaphore, #tpu.memory_space<semaphore_mem>> -> memref<!tpu.dma_semaphore, #tpu.memory_space<semaphore_mem>>
      %dma_start3A_310 = arith.constant 0 : i32
      %dma_start3A_311 = tpu.memref_slice %arg4[%select_n3A_279, %add3A_298, %dma_start3A_310] : memref<50x4096x128xf32, #tpu.memory_space<hbm>> -> memref<1x64x128xf32, #tpu.memory_space<hbm>>
      %dma_start3A_312 = tpu.memref_squeeze %dma_start3A_311 : memref<1x64x128xf32, #tpu.memory_space<hbm>> -> memref<64x128xf32, #tpu.memory_space<hbm>>
      %dma_start3A_313 = arith.constant 0 : i32
      %dma_start3A_314 = arith.constant 0 : i32
      %dma_start3A_315 = tpu.memref_slice %arg6[%dma_start3A_299, %dma_start3A_313, %dma_start3A_314] : memref<5x64x128xf32, #tpu.memory_space<vmem>> -> memref<1x64x128xf32, #tpu.memory_space<vmem>>
      %dma_start3A_316 = tpu.memref_squeeze %dma_start3A_315 : memref<1x64x128xf32, #tpu.memory_space<vmem>> -> memref<64x128xf32, #tpu.memory_space<vmem>>
      tpu.enqueue_dma source(%dma_start3A_316 : memref<64x128xf32, #tpu.memory_space<vmem>>) target(%dma_start3A_312 : memref<64x128xf32, #tpu.memory_space<hbm>>) target_semaphore(%dma_start3A_309 : memref<!tpu.dma_semaphore, #tpu.memory_space<semaphore_mem>>)
      %add3A_317 = arith.constant 2 : i32
      %add3A_318 = arith.addi %mul3A_87, %add3A_317 : i32
      %jit3A_319 = arith.constant 2 : i32
      %div3A_320 = arith.divsi %add3A_318, %jit3A_319 : i32
      %sign3A_321 = arith.constant 0 : i32
      %sign3A_322 = arith.cmpi sgt, %add3A_318, %sign3A_321 : i32
      %sign3A_323 = arith.extui %sign3A_322 : i1 to i32
      %sign3A_324 = arith.constant 0 : i32
      %sign3A_325 = arith.cmpi slt, %add3A_318, %sign3A_324 : i32
      %sign3A_326 = arith.extui %sign3A_325 : i1 to i32
      %sign3A_327 = arith.subi %sign3A_323, %sign3A_326 : i32
      %sign3A_328 = arith.constant 0 : i32
      %sign3A_329 = arith.cmpi sgt, %jit3A_319, %sign3A_328 : i32
      %sign3A_330 = arith.extui %sign3A_329 : i1 to i32
      %sign3A_331 = arith.constant 0 : i32
      %sign3A_332 = arith.cmpi slt, %jit3A_319, %sign3A_331 : i32
      %sign3A_333 = arith.extui %sign3A_332 : i1 to i32
      %sign3A_334 = arith.subi %sign3A_330, %sign3A_333 : i32
      %ne3A_335 = arith.cmpi ne, %sign3A_327, %sign3A_334 : i32
      %rem3A_336 = arith.remsi %add3A_318, %jit3A_319 : i32
      %ne3A_337 = arith.constant 0 : i32
      %ne3A_338 = arith.cmpi ne, %rem3A_336, %ne3A_337 : i32
      %and3A_339 = arith.andi %ne3A_335, %ne3A_338 : i1
      %sub3A_340 = arith.constant 1 : i32
      %sub3A_341 = arith.subi %div3A_320, %sub3A_340 : i32
      %select_n3A_342 = arith.select %and3A_339, %sub3A_341, %div3A_320 : i32
      %jit3A_343 = arith.constant 2 : i32
      %eq3A_344 = arith.constant 0 : i32
      %eq3A_345 = arith.cmpi eq, %jit3A_343, %eq3A_344 : i32
      %jit3A_346 = arith.constant 1 : i32
      %select_n3A_347 = arith.select %eq3A_345, %jit3A_346, %jit3A_343 : i32
      %rem3A_348 = arith.remsi %add3A_318, %select_n3A_347 : i32
      %ne3A_349 = arith.constant 0 : i32
      %ne3A_350 = arith.cmpi ne, %rem3A_348, %ne3A_349 : i32
      %lt3A_351 = arith.constant 0 : i32
      %lt3A_352 = arith.cmpi slt, %rem3A_348, %lt3A_351 : i32
      %lt3A_353 = arith.constant 0 : i32
      %lt3A_354 = arith.cmpi slt, %select_n3A_347, %lt3A_353 : i32
      %ne3A_355 = arith.xori %lt3A_352, %lt3A_354 : i1
      %and3A_356 = arith.andi %ne3A_355, %ne3A_350 : i1
      %add3A_357 = arith.addi %rem3A_348, %select_n3A_347 : i32
      %select_n3A_358 = arith.select %and3A_356, %add3A_357, %rem3A_348 : i32
      %mul3A_359 = arith.constant 64 : i32
      %mul3A_360 = arith.muli %select_n3A_358, %mul3A_359 : i32
      %dma_wait3A_361 = arith.constant 2 : i32
      %dma_wait3A_362 = arith.constant 2 : i32
      %dma_wait3A_363 = arith.constant 0 : i32
      %dma_wait3A_364 = arith.constant 0 : i32
      %dma_wait3A_365 = tpu.memref_slice %arg6[%dma_wait3A_361, %dma_wait3A_363, %dma_wait3A_364] : memref<5x64x128xf32, #tpu.memory_space<vmem>> -> memref<1x64x128xf32, #tpu.memory_space<vmem>>
      %dma_wait3A_366 = tpu.memref_squeeze %dma_wait3A_365 : memref<1x64x128xf32, #tpu.memory_space<vmem>> -> memref<64x128xf32, #tpu.memory_space<vmem>>
      %dma_wait3A_367 = tpu.memref_slice %arg5[%select_n3A_342, %mul3A_360] : memref<50x128xi32, #tpu.memory_space<vmem>> -> memref<1x64xi32, #tpu.memory_space<vmem>>
      %dma_wait3A_368 = tpu.memref_squeeze %dma_wait3A_367 : memref<1x64xi32, #tpu.memory_space<vmem>> -> memref<64xi32, #tpu.memory_space<vmem>>
      %dma_wait3A_369 = arith.constant 0 : i32
      %dma_wait3A_370 = arith.constant 0 : i32
      %dma_wait3A_371 = tpu.memref_slice %arg3[%dma_wait3A_369, %dma_wait3A_370] : memref<100000x128xf32, #tpu.memory_space<hbm>> -> memref<100000x128xf32, #tpu.memory_space<hbm>>
      %dma_wait3A_372 = tpu.memref_slice %arg7[%dma_wait3A_362] : memref<5x!tpu.dma_semaphore, #tpu.memory_space<semaphore_mem>> -> memref<1x!tpu.dma_semaphore, #tpu.memory_space<semaphore_mem>>
      %dma_wait3A_373 = tpu.memref_squeeze %dma_wait3A_372 : memref<1x!tpu.dma_semaphore, #tpu.memory_space<semaphore_mem>> -> memref<!tpu.dma_semaphore, #tpu.memory_space<semaphore_mem>>
      tpu.wait_indirect_dma semaphore(%dma_wait3A_373 : memref<!tpu.dma_semaphore, #tpu.memory_space<semaphore_mem>>) src(%dma_wait3A_371 : memref<100000x128xf32, #tpu.memory_space<hbm>>) dst(%dma_wait3A_366 : memref<64x128xf32, #tpu.memory_space<vmem>>)
      %add3A_374 = arith.constant 2 : i32
      %add3A_375 = arith.addi %mul3A_87, %add3A_374 : i32
      %jit3A_376 = arith.constant 2 : i32
      %div3A_377 = arith.divsi %add3A_375, %jit3A_376 : i32
      %sign3A_378 = arith.constant 0 : i32
      %sign3A_379 = arith.cmpi sgt, %add3A_375, %sign3A_378 : i32
      %sign3A_380 = arith.extui %sign3A_379 : i1 to i32
      %sign3A_381 = arith.constant 0 : i32
      %sign3A_382 = arith.cmpi slt, %add3A_375, %sign3A_381 : i32
      %sign3A_383 = arith.extui %sign3A_382 : i1 to i32
      %sign3A_384 = arith.subi %sign3A_380, %sign3A_383 : i32
      %sign3A_385 = arith.constant 0 : i32
      %sign3A_386 = arith.cmpi sgt, %jit3A_376, %sign3A_385 : i32
      %sign3A_387 = arith.extui %sign3A_386 : i1 to i32
      %sign3A_388 = arith.constant 0 : i32
      %sign3A_389 = arith.cmpi slt, %jit3A_376, %sign3A_388 : i32
      %sign3A_390 = arith.extui %sign3A_389 : i1 to i32
      %sign3A_391 = arith.subi %sign3A_387, %sign3A_390 : i32
      %ne3A_392 = arith.cmpi ne, %sign3A_384, %sign3A_391 : i32
      %rem3A_393 = arith.remsi %add3A_375, %jit3A_376 : i32
      %ne3A_394 = arith.constant 0 : i32
      %ne3A_395 = arith.cmpi ne, %rem3A_393, %ne3A_394 : i32
      %and3A_396 = arith.andi %ne3A_392, %ne3A_395 : i1
      %sub3A_397 = arith.constant 1 : i32
      %sub3A_398 = arith.subi %div3A_377, %sub3A_397 : i32
      %select_n3A_399 = arith.select %and3A_396, %sub3A_398, %div3A_377 : i32
      %jit3A_400 = arith.constant 2 : i32
      %eq3A_401 = arith.constant 0 : i32
      %eq3A_402 = arith.cmpi eq, %jit3A_400, %eq3A_401 : i32
      %jit3A_403 = arith.constant 1 : i32
      %select_n3A_404 = arith.select %eq3A_402, %jit3A_403, %jit3A_400 : i32
      %rem3A_405 = arith.remsi %add3A_375, %select_n3A_404 : i32
      %ne3A_406 = arith.constant 0 : i32
      %ne3A_407 = arith.cmpi ne, %rem3A_405, %ne3A_406 : i32
      %lt3A_408 = arith.constant 0 : i32
      %lt3A_409 = arith.cmpi slt, %rem3A_405, %lt3A_408 : i32
      %lt3A_410 = arith.constant 0 : i32
      %lt3A_411 = arith.cmpi slt, %select_n3A_404, %lt3A_410 : i32
      %ne3A_412 = arith.xori %lt3A_409, %lt3A_411 : i1
      %and3A_413 = arith.andi %ne3A_412, %ne3A_407 : i1
      %add3A_414 = arith.addi %rem3A_405, %select_n3A_404 : i32
      %select_n3A_415 = arith.select %and3A_413, %add3A_414, %rem3A_405 : i32
      %mul3A_416 = arith.constant 64 : i32
      %mul3A_417 = arith.muli %select_n3A_415, %mul3A_416 : i32
      %add3A_418 = arith.addi %mul3A_2, %mul3A_417 : i32
      %dma_start3A_419 = arith.constant 2 : i32
      %dma_start3A_420 = arith.constant 2 : i32
      %dma_start3A_421 = arith.constant 0 : i32
      %dma_start3A_422 = arith.constant 0 : i32
      %dma_start3A_423 = tpu.memref_slice %arg6[%dma_start3A_419, %dma_start3A_421, %dma_start3A_422] : memref<5x64x128xf32, #tpu.memory_space<vmem>> -> memref<1x64x128xf32, #tpu.memory_space<vmem>>
      %dma_start3A_424 = tpu.memref_squeeze %dma_start3A_423 : memref<1x64x128xf32, #tpu.memory_space<vmem>> -> memref<64x128xf32, #tpu.memory_space<vmem>>
      %dma_start3A_425 = arith.constant 0 : i32
      %dma_start3A_426 = tpu.memref_slice %arg4[%select_n3A_399, %add3A_418, %dma_start3A_425] : memref<50x4096x128xf32, #tpu.memory_space<hbm>> -> memref<1x64x128xf32, #tpu.memory_space<hbm>>
      %dma_start3A_427 = tpu.memref_squeeze %dma_start3A_426 : memref<1x64x128xf32, #tpu.memory_space<hbm>> -> memref<64x128xf32, #tpu.memory_space<hbm>>
      %dma_start3A_428 = tpu.memref_slice %arg8[%dma_start3A_420] : memref<5x!tpu.dma_semaphore, #tpu.memory_space<semaphore_mem>> -> memref<1x!tpu.dma_semaphore, #tpu.memory_space<semaphore_mem>>
      %dma_start3A_429 = tpu.memref_squeeze %dma_start3A_428 : memref<1x!tpu.dma_semaphore, #tpu.memory_space<semaphore_mem>> -> memref<!tpu.dma_semaphore, #tpu.memory_space<semaphore_mem>>
      %dma_start3A_430 = arith.constant 0 : i32
      %dma_start3A_431 = tpu.memref_slice %arg4[%select_n3A_399, %add3A_418, %dma_start3A_430] : memref<50x4096x128xf32, #tpu.memory_space<hbm>> -> memref<1x64x128xf32, #tpu.memory_space<hbm>>
      %dma_start3A_432 = tpu.memref_squeeze %dma_start3A_431 : memref<1x64x128xf32, #tpu.memory_space<hbm>> -> memref<64x128xf32, #tpu.memory_space<hbm>>
      %dma_start3A_433 = arith.constant 0 : i32
      %dma_start3A_434 = arith.constant 0 : i32
      %dma_start3A_435 = tpu.memref_slice %arg6[%dma_start3A_419, %dma_start3A_433, %dma_start3A_434] : memref<5x64x128xf32, #tpu.memory_space<vmem>> -> memref<1x64x128xf32, #tpu.memory_space<vmem>>
      %dma_start3A_436 = tpu.memref_squeeze %dma_start3A_435 : memref<1x64x128xf32, #tpu.memory_space<vmem>> -> memref<64x128xf32, #tpu.memory_space<vmem>>
      tpu.enqueue_dma source(%dma_start3A_436 : memref<64x128xf32, #tpu.memory_space<vmem>>) target(%dma_start3A_432 : memref<64x128xf32, #tpu.memory_space<hbm>>) target_semaphore(%dma_start3A_429 : memref<!tpu.dma_semaphore, #tpu.memory_space<semaphore_mem>>)
      %add3A_437 = arith.constant 3 : i32
      %add3A_438 = arith.addi %mul3A_87, %add3A_437 : i32
      %jit3A_439 = arith.constant 2 : i32
      %div3A_440 = arith.divsi %add3A_438, %jit3A_439 : i32
      %sign3A_441 = arith.constant 0 : i32
      %sign3A_442 = arith.cmpi sgt, %add3A_438, %sign3A_441 : i32
      %sign3A_443 = arith.extui %sign3A_442 : i1 to i32
      %sign3A_444 = arith.constant 0 : i32
      %sign3A_445 = arith.cmpi slt, %add3A_438, %sign3A_444 : i32
      %sign3A_446 = arith.extui %sign3A_445 : i1 to i32
      %sign3A_447 = arith.subi %sign3A_443, %sign3A_446 : i32
      %sign3A_448 = arith.constant 0 : i32
      %sign3A_449 = arith.cmpi sgt, %jit3A_439, %sign3A_448 : i32
      %sign3A_450 = arith.extui %sign3A_449 : i1 to i32
      %sign3A_451 = arith.constant 0 : i32
      %sign3A_452 = arith.cmpi slt, %jit3A_439, %sign3A_451 : i32
      %sign3A_453 = arith.extui %sign3A_452 : i1 to i32
      %sign3A_454 = arith.subi %sign3A_450, %sign3A_453 : i32
      %ne3A_455 = arith.cmpi ne, %sign3A_447, %sign3A_454 : i32
      %rem3A_456 = arith.remsi %add3A_438, %jit3A_439 : i32
      %ne3A_457 = arith.constant 0 : i32
      %ne3A_458 = arith.cmpi ne, %rem3A_456, %ne3A_457 : i32
      %and3A_459 = arith.andi %ne3A_455, %ne3A_458 : i1
      %sub3A_460 = arith.constant 1 : i32
      %sub3A_461 = arith.subi %div3A_440, %sub3A_460 : i32
      %select_n3A_462 = arith.select %and3A_459, %sub3A_461, %div3A_440 : i32
      %jit3A_463 = arith.constant 2 : i32
      %eq3A_464 = arith.constant 0 : i32
      %eq3A_465 = arith.cmpi eq, %jit3A_463, %eq3A_464 : i32
      %jit3A_466 = arith.constant 1 : i32
      %select_n3A_467 = arith.select %eq3A_465, %jit3A_466, %jit3A_463 : i32
      %rem3A_468 = arith.remsi %add3A_438, %select_n3A_467 : i32
      %ne3A_469 = arith.constant 0 : i32
      %ne3A_470 = arith.cmpi ne, %rem3A_468, %ne3A_469 : i32
      %lt3A_471 = arith.constant 0 : i32
      %lt3A_472 = arith.cmpi slt, %rem3A_468, %lt3A_471 : i32
      %lt3A_473 = arith.constant 0 : i32
      %lt3A_474 = arith.cmpi slt, %select_n3A_467, %lt3A_473 : i32
      %ne3A_475 = arith.xori %lt3A_472, %lt3A_474 : i1
      %and3A_476 = arith.andi %ne3A_475, %ne3A_470 : i1
      %add3A_477 = arith.addi %rem3A_468, %select_n3A_467 : i32
      %select_n3A_478 = arith.select %and3A_476, %add3A_477, %rem3A_468 : i32
      %mul3A_479 = arith.constant 64 : i32
      %mul3A_480 = arith.muli %select_n3A_478, %mul3A_479 : i32
      %dma_wait3A_481 = arith.constant 3 : i32
      %dma_wait3A_482 = arith.constant 3 : i32
      %dma_wait3A_483 = arith.constant 0 : i32
      %dma_wait3A_484 = arith.constant 0 : i32
      %dma_wait3A_485 = tpu.memref_slice %arg6[%dma_wait3A_481, %dma_wait3A_483, %dma_wait3A_484] : memref<5x64x128xf32, #tpu.memory_space<vmem>> -> memref<1x64x128xf32, #tpu.memory_space<vmem>>
      %dma_wait3A_486 = tpu.memref_squeeze %dma_wait3A_485 : memref<1x64x128xf32, #tpu.memory_space<vmem>> -> memref<64x128xf32, #tpu.memory_space<vmem>>
      %dma_wait3A_487 = tpu.memref_slice %arg5[%select_n3A_462, %mul3A_480] : memref<50x128xi32, #tpu.memory_space<vmem>> -> memref<1x64xi32, #tpu.memory_space<vmem>>
      %dma_wait3A_488 = tpu.memref_squeeze %dma_wait3A_487 : memref<1x64xi32, #tpu.memory_space<vmem>> -> memref<64xi32, #tpu.memory_space<vmem>>
      %dma_wait3A_489 = arith.constant 0 : i32
      %dma_wait3A_490 = arith.constant 0 : i32
      %dma_wait3A_491 = tpu.memref_slice %arg3[%dma_wait3A_489, %dma_wait3A_490] : memref<100000x128xf32, #tpu.memory_space<hbm>> -> memref<100000x128xf32, #tpu.memory_space<hbm>>
      %dma_wait3A_492 = tpu.memref_slice %arg7[%dma_wait3A_482] : memref<5x!tpu.dma_semaphore, #tpu.memory_space<semaphore_mem>> -> memref<1x!tpu.dma_semaphore, #tpu.memory_space<semaphore_mem>>
      %dma_wait3A_493 = tpu.memref_squeeze %dma_wait3A_492 : memref<1x!tpu.dma_semaphore, #tpu.memory_space<semaphore_mem>> -> memref<!tpu.dma_semaphore, #tpu.memory_space<semaphore_mem>>
      tpu.wait_indirect_dma semaphore(%dma_wait3A_493 : memref<!tpu.dma_semaphore, #tpu.memory_space<semaphore_mem>>) src(%dma_wait3A_491 : memref<100000x128xf32, #tpu.memory_space<hbm>>) dst(%dma_wait3A_486 : memref<64x128xf32, #tpu.memory_space<vmem>>)
      %add3A_494 = arith.constant 3 : i32
      %add3A_495 = arith.addi %mul3A_87, %add3A_494 : i32
      %jit3A_496 = arith.constant 2 : i32
      %div3A_497 = arith.divsi %add3A_495, %jit3A_496 : i32
      %sign3A_498 = arith.constant 0 : i32
      %sign3A_499 = arith.cmpi sgt, %add3A_495, %sign3A_498 : i32
      %sign3A_500 = arith.extui %sign3A_499 : i1 to i32
      %sign3A_501 = arith.constant 0 : i32
      %sign3A_502 = arith.cmpi slt, %add3A_495, %sign3A_501 : i32
      %sign3A_503 = arith.extui %sign3A_502 : i1 to i32
      %sign3A_504 = arith.subi %sign3A_500, %sign3A_503 : i32
      %sign3A_505 = arith.constant 0 : i32
      %sign3A_506 = arith.cmpi sgt, %jit3A_496, %sign3A_505 : i32
      %sign3A_507 = arith.extui %sign3A_506 : i1 to i32
      %sign3A_508 = arith.constant 0 : i32
      %sign3A_509 = arith.cmpi slt, %jit3A_496, %sign3A_508 : i32
      %sign3A_510 = arith.extui %sign3A_509 : i1 to i32
      %sign3A_511 = arith.subi %sign3A_507, %sign3A_510 : i32
      %ne3A_512 = arith.cmpi ne, %sign3A_504, %sign3A_511 : i32
      %rem3A_513 = arith.remsi %add3A_495, %jit3A_496 : i32
      %ne3A_514 = arith.constant 0 : i32
      %ne3A_515 = arith.cmpi ne, %rem3A_513, %ne3A_514 : i32
      %and3A_516 = arith.andi %ne3A_512, %ne3A_515 : i1
      %sub3A_517 = arith.constant 1 : i32
      %sub3A_518 = arith.subi %div3A_497, %sub3A_517 : i32
      %select_n3A_519 = arith.select %and3A_516, %sub3A_518, %div3A_497 : i32
      %jit3A_520 = arith.constant 2 : i32
      %eq3A_521 = arith.constant 0 : i32
      %eq3A_522 = arith.cmpi eq, %jit3A_520, %eq3A_521 : i32
      %jit3A_523 = arith.constant 1 : i32
      %select_n3A_524 = arith.select %eq3A_522, %jit3A_523, %jit3A_520 : i32
      %rem3A_525 = arith.remsi %add3A_495, %select_n3A_524 : i32
      %ne3A_526 = arith.constant 0 : i32
      %ne3A_527 = arith.cmpi ne, %rem3A_525, %ne3A_526 : i32
      %lt3A_528 = arith.constant 0 : i32
      %lt3A_529 = arith.cmpi slt, %rem3A_525, %lt3A_528 : i32
      %lt3A_530 = arith.constant 0 : i32
      %lt3A_531 = arith.cmpi slt, %select_n3A_524, %lt3A_530 : i32
      %ne3A_532 = arith.xori %lt3A_529, %lt3A_531 : i1
      %and3A_533 = arith.andi %ne3A_532, %ne3A_527 : i1
      %add3A_534 = arith.addi %rem3A_525, %select_n3A_524 : i32
      %select_n3A_535 = arith.select %and3A_533, %add3A_534, %rem3A_525 : i32
      %mul3A_536 = arith.constant 64 : i32
      %mul3A_537 = arith.muli %select_n3A_535, %mul3A_536 : i32
      %add3A_538 = arith.addi %mul3A_2, %mul3A_537 : i32
      %dma_start3A_539 = arith.constant 3 : i32
      %dma_start3A_540 = arith.constant 3 : i32
      %dma_start3A_541 = arith.constant 0 : i32
      %dma_start3A_542 = arith.constant 0 : i32
      %dma_start3A_543 = tpu.memref_slice %arg6[%dma_start3A_539, %dma_start3A_541, %dma_start3A_542] : memref<5x64x128xf32, #tpu.memory_space<vmem>> -> memref<1x64x128xf32, #tpu.memory_space<vmem>>
      %dma_start3A_544 = tpu.memref_squeeze %dma_start3A_543 : memref<1x64x128xf32, #tpu.memory_space<vmem>> -> memref<64x128xf32, #tpu.memory_space<vmem>>
      %dma_start3A_545 = arith.constant 0 : i32
      %dma_start3A_546 = tpu.memref_slice %arg4[%select_n3A_519, %add3A_538, %dma_start3A_545] : memref<50x4096x128xf32, #tpu.memory_space<hbm>> -> memref<1x64x128xf32, #tpu.memory_space<hbm>>
      %dma_start3A_547 = tpu.memref_squeeze %dma_start3A_546 : memref<1x64x128xf32, #tpu.memory_space<hbm>> -> memref<64x128xf32, #tpu.memory_space<hbm>>
      %dma_start3A_548 = tpu.memref_slice %arg8[%dma_start3A_540] : memref<5x!tpu.dma_semaphore, #tpu.memory_space<semaphore_mem>> -> memref<1x!tpu.dma_semaphore, #tpu.memory_space<semaphore_mem>>
      %dma_start3A_549 = tpu.memref_squeeze %dma_start3A_548 : memref<1x!tpu.dma_semaphore, #tpu.memory_space<semaphore_mem>> -> memref<!tpu.dma_semaphore, #tpu.memory_space<semaphore_mem>>
      %dma_start3A_550 = arith.constant 0 : i32
      %dma_start3A_551 = tpu.memref_slice %arg4[%select_n3A_519, %add3A_538, %dma_start3A_550] : memref<50x4096x128xf32, #tpu.memory_space<hbm>> -> memref<1x64x128xf32, #tpu.memory_space<hbm>>
      %dma_start3A_552 = tpu.memref_squeeze %dma_start3A_551 : memref<1x64x128xf32, #tpu.memory_space<hbm>> -> memref<64x128xf32, #tpu.memory_space<hbm>>
      %dma_start3A_553 = arith.constant 0 : i32
      %dma_start3A_554 = arith.constant 0 : i32
      %dma_start3A_555 = tpu.memref_slice %arg6[%dma_start3A_539, %dma_start3A_553, %dma_start3A_554] : memref<5x64x128xf32, #tpu.memory_space<vmem>> -> memref<1x64x128xf32, #tpu.memory_space<vmem>>
      %dma_start3A_556 = tpu.memref_squeeze %dma_start3A_555 : memref<1x64x128xf32, #tpu.memory_space<vmem>> -> memref<64x128xf32, #tpu.memory_space<vmem>>
      tpu.enqueue_dma source(%dma_start3A_556 : memref<64x128xf32, #tpu.memory_space<vmem>>) target(%dma_start3A_552 : memref<64x128xf32, #tpu.memory_space<hbm>>) target_semaphore(%dma_start3A_549 : memref<!tpu.dma_semaphore, #tpu.memory_space<semaphore_mem>>)
      %add3A_557 = arith.constant 4 : i32
      %add3A_558 = arith.addi %mul3A_87, %add3A_557 : i32
      %jit3A_559 = arith.constant 2 : i32
      %div3A_560 = arith.divsi %add3A_558, %jit3A_559 : i32
      %sign3A_561 = arith.constant 0 : i32
      %sign3A_562 = arith.cmpi sgt, %add3A_558, %sign3A_561 : i32
      %sign3A_563 = arith.extui %sign3A_562 : i1 to i32
      %sign3A_564 = arith.constant 0 : i32
      %sign3A_565 = arith.cmpi slt, %add3A_558, %sign3A_564 : i32
      %sign3A_566 = arith.extui %sign3A_565 : i1 to i32
      %sign3A_567 = arith.subi %sign3A_563, %sign3A_566 : i32
      %sign3A_568 = arith.constant 0 : i32
      %sign3A_569 = arith.cmpi sgt, %jit3A_559, %sign3A_568 : i32
      %sign3A_570 = arith.extui %sign3A_569 : i1 to i32
      %sign3A_571 = arith.constant 0 : i32
      %sign3A_572 = arith.cmpi slt, %jit3A_559, %sign3A_571 : i32
      %sign3A_573 = arith.extui %sign3A_572 : i1 to i32
      %sign3A_574 = arith.subi %sign3A_570, %sign3A_573 : i32
      %ne3A_575 = arith.cmpi ne, %sign3A_567, %sign3A_574 : i32
      %rem3A_576 = arith.remsi %add3A_558, %jit3A_559 : i32
      %ne3A_577 = arith.constant 0 : i32
      %ne3A_578 = arith.cmpi ne, %rem3A_576, %ne3A_577 : i32
      %and3A_579 = arith.andi %ne3A_575, %ne3A_578 : i1
      %sub3A_580 = arith.constant 1 : i32
      %sub3A_581 = arith.subi %div3A_560, %sub3A_580 : i32
      %select_n3A_582 = arith.select %and3A_579, %sub3A_581, %div3A_560 : i32
      %jit3A_583 = arith.constant 2 : i32
      %eq3A_584 = arith.constant 0 : i32
      %eq3A_585 = arith.cmpi eq, %jit3A_583, %eq3A_584 : i32
      %jit3A_586 = arith.constant 1 : i32
      %select_n3A_587 = arith.select %eq3A_585, %jit3A_586, %jit3A_583 : i32
      %rem3A_588 = arith.remsi %add3A_558, %select_n3A_587 : i32
      %ne3A_589 = arith.constant 0 : i32
      %ne3A_590 = arith.cmpi ne, %rem3A_588, %ne3A_589 : i32
      %lt3A_591 = arith.constant 0 : i32
      %lt3A_592 = arith.cmpi slt, %rem3A_588, %lt3A_591 : i32
      %lt3A_593 = arith.constant 0 : i32
      %lt3A_594 = arith.cmpi slt, %select_n3A_587, %lt3A_593 : i32
      %ne3A_595 = arith.xori %lt3A_592, %lt3A_594 : i1
      %and3A_596 = arith.andi %ne3A_595, %ne3A_590 : i1
      %add3A_597 = arith.addi %rem3A_588, %select_n3A_587 : i32
      %select_n3A_598 = arith.select %and3A_596, %add3A_597, %rem3A_588 : i32
      %mul3A_599 = arith.constant 64 : i32
      %mul3A_600 = arith.muli %select_n3A_598, %mul3A_599 : i32
      %dma_wait3A_601 = arith.constant 4 : i32
      %dma_wait3A_602 = arith.constant 4 : i32
      %dma_wait3A_603 = arith.constant 0 : i32
      %dma_wait3A_604 = arith.constant 0 : i32
      %dma_wait3A_605 = tpu.memref_slice %arg6[%dma_wait3A_601, %dma_wait3A_603, %dma_wait3A_604] : memref<5x64x128xf32, #tpu.memory_space<vmem>> -> memref<1x64x128xf32, #tpu.memory_space<vmem>>
      %dma_wait3A_606 = tpu.memref_squeeze %dma_wait3A_605 : memref<1x64x128xf32, #tpu.memory_space<vmem>> -> memref<64x128xf32, #tpu.memory_space<vmem>>
      %dma_wait3A_607 = tpu.memref_slice %arg5[%select_n3A_582, %mul3A_600] : memref<50x128xi32, #tpu.memory_space<vmem>> -> memref<1x64xi32, #tpu.memory_space<vmem>>
      %dma_wait3A_608 = tpu.memref_squeeze %dma_wait3A_607 : memref<1x64xi32, #tpu.memory_space<vmem>> -> memref<64xi32, #tpu.memory_space<vmem>>
      %dma_wait3A_609 = arith.constant 0 : i32
      %dma_wait3A_610 = arith.constant 0 : i32
      %dma_wait3A_611 = tpu.memref_slice %arg3[%dma_wait3A_609, %dma_wait3A_610] : memref<100000x128xf32, #tpu.memory_space<hbm>> -> memref<100000x128xf32, #tpu.memory_space<hbm>>
      %dma_wait3A_612 = tpu.memref_slice %arg7[%dma_wait3A_602] : memref<5x!tpu.dma_semaphore, #tpu.memory_space<semaphore_mem>> -> memref<1x!tpu.dma_semaphore, #tpu.memory_space<semaphore_mem>>
      %dma_wait3A_613 = tpu.memref_squeeze %dma_wait3A_612 : memref<1x!tpu.dma_semaphore, #tpu.memory_space<semaphore_mem>> -> memref<!tpu.dma_semaphore, #tpu.memory_space<semaphore_mem>>
      tpu.wait_indirect_dma semaphore(%dma_wait3A_613 : memref<!tpu.dma_semaphore, #tpu.memory_space<semaphore_mem>>) src(%dma_wait3A_611 : memref<100000x128xf32, #tpu.memory_space<hbm>>) dst(%dma_wait3A_606 : memref<64x128xf32, #tpu.memory_space<vmem>>)
      %add3A_614 = arith.constant 4 : i32
      %add3A_615 = arith.addi %mul3A_87, %add3A_614 : i32
      %jit3A_616 = arith.constant 2 : i32
      %div3A_617 = arith.divsi %add3A_615, %jit3A_616 : i32
      %sign3A_618 = arith.constant 0 : i32
      %sign3A_619 = arith.cmpi sgt, %add3A_615, %sign3A_618 : i32
      %sign3A_620 = arith.extui %sign3A_619 : i1 to i32
      %sign3A_621 = arith.constant 0 : i32
      %sign3A_622 = arith.cmpi slt, %add3A_615, %sign3A_621 : i32
      %sign3A_623 = arith.extui %sign3A_622 : i1 to i32
      %sign3A_624 = arith.subi %sign3A_620, %sign3A_623 : i32
      %sign3A_625 = arith.constant 0 : i32
      %sign3A_626 = arith.cmpi sgt, %jit3A_616, %sign3A_625 : i32
      %sign3A_627 = arith.extui %sign3A_626 : i1 to i32
      %sign3A_628 = arith.constant 0 : i32
      %sign3A_629 = arith.cmpi slt, %jit3A_616, %sign3A_628 : i32
      %sign3A_630 = arith.extui %sign3A_629 : i1 to i32
      %sign3A_631 = arith.subi %sign3A_627, %sign3A_630 : i32
      %ne3A_632 = arith.cmpi ne, %sign3A_624, %sign3A_631 : i32
      %rem3A_633 = arith.remsi %add3A_615, %jit3A_616 : i32
      %ne3A_634 = arith.constant 0 : i32
      %ne3A_635 = arith.cmpi ne, %rem3A_633, %ne3A_634 : i32
      %and3A_636 = arith.andi %ne3A_632, %ne3A_635 : i1
      %sub3A_637 = arith.constant 1 : i32
      %sub3A_638 = arith.subi %div3A_617, %sub3A_637 : i32
      %select_n3A_639 = arith.select %and3A_636, %sub3A_638, %div3A_617 : i32
      %jit3A_640 = arith.constant 2 : i32
      %eq3A_641 = arith.constant 0 : i32
      %eq3A_642 = arith.cmpi eq, %jit3A_640, %eq3A_641 : i32
      %jit3A_643 = arith.constant 1 : i32
      %select_n3A_644 = arith.select %eq3A_642, %jit3A_643, %jit3A_640 : i32
      %rem3A_645 = arith.remsi %add3A_615, %select_n3A_644 : i32
      %ne3A_646 = arith.constant 0 : i32
      %ne3A_647 = arith.cmpi ne, %rem3A_645, %ne3A_646 : i32
      %lt3A_648 = arith.constant 0 : i32
      %lt3A_649 = arith.cmpi slt, %rem3A_645, %lt3A_648 : i32
      %lt3A_650 = arith.constant 0 : i32
      %lt3A_651 = arith.cmpi slt, %select_n3A_644, %lt3A_650 : i32
      %ne3A_652 = arith.xori %lt3A_649, %lt3A_651 : i1
      %and3A_653 = arith.andi %ne3A_652, %ne3A_647 : i1
      %add3A_654 = arith.addi %rem3A_645, %select_n3A_644 : i32
      %select_n3A_655 = arith.select %and3A_653, %add3A_654, %rem3A_645 : i32
      %mul3A_656 = arith.constant 64 : i32
      %mul3A_657 = arith.muli %select_n3A_655, %mul3A_656 : i32
      %add3A_658 = arith.addi %mul3A_2, %mul3A_657 : i32
      %dma_start3A_659 = arith.constant 4 : i32
      %dma_start3A_660 = arith.constant 4 : i32
      %dma_start3A_661 = arith.constant 0 : i32
      %dma_start3A_662 = arith.constant 0 : i32
      %dma_start3A_663 = tpu.memref_slice %arg6[%dma_start3A_659, %dma_start3A_661, %dma_start3A_662] : memref<5x64x128xf32, #tpu.memory_space<vmem>> -> memref<1x64x128xf32, #tpu.memory_space<vmem>>
      %dma_start3A_664 = tpu.memref_squeeze %dma_start3A_663 : memref<1x64x128xf32, #tpu.memory_space<vmem>> -> memref<64x128xf32, #tpu.memory_space<vmem>>
      %dma_start3A_665 = arith.constant 0 : i32
      %dma_start3A_666 = tpu.memref_slice %arg4[%select_n3A_639, %add3A_658, %dma_start3A_665] : memref<50x4096x128xf32, #tpu.memory_space<hbm>> -> memref<1x64x128xf32, #tpu.memory_space<hbm>>
      %dma_start3A_667 = tpu.memref_squeeze %dma_start3A_666 : memref<1x64x128xf32, #tpu.memory_space<hbm>> -> memref<64x128xf32, #tpu.memory_space<hbm>>
      %dma_start3A_668 = tpu.memref_slice %arg8[%dma_start3A_660] : memref<5x!tpu.dma_semaphore, #tpu.memory_space<semaphore_mem>> -> memref<1x!tpu.dma_semaphore, #tpu.memory_space<semaphore_mem>>
      %dma_start3A_669 = tpu.memref_squeeze %dma_start3A_668 : memref<1x!tpu.dma_semaphore, #tpu.memory_space<semaphore_mem>> -> memref<!tpu.dma_semaphore, #tpu.memory_space<semaphore_mem>>
      %dma_start3A_670 = arith.constant 0 : i32
      %dma_start3A_671 = tpu.memref_slice %arg4[%select_n3A_639, %add3A_658, %dma_start3A_670] : memref<50x4096x128xf32, #tpu.memory_space<hbm>> -> memref<1x64x128xf32, #tpu.memory_space<hbm>>
      %dma_start3A_672 = tpu.memref_squeeze %dma_start3A_671 : memref<1x64x128xf32, #tpu.memory_space<hbm>> -> memref<64x128xf32, #tpu.memory_space<hbm>>
      %dma_start3A_673 = arith.constant 0 : i32
      %dma_start3A_674 = arith.constant 0 : i32
      %dma_start3A_675 = tpu.memref_slice %arg6[%dma_start3A_659, %dma_start3A_673, %dma_start3A_674] : memref<5x64x128xf32, #tpu.memory_space<vmem>> -> memref<1x64x128xf32, #tpu.memory_space<vmem>>
      %dma_start3A_676 = tpu.memref_squeeze %dma_start3A_675 : memref<1x64x128xf32, #tpu.memory_space<vmem>> -> memref<64x128xf32, #tpu.memory_space<vmem>>
      tpu.enqueue_dma source(%dma_start3A_676 : memref<64x128xf32, #tpu.memory_space<vmem>>) target(%dma_start3A_672 : memref<64x128xf32, #tpu.memory_space<hbm>>) target_semaphore(%dma_start3A_669 : memref<!tpu.dma_semaphore, #tpu.memory_space<semaphore_mem>>)
      %add3A_677 = arith.constant 0 : i32
      %add3A_678 = arith.addi %mul3A_87, %add3A_677 : i32
      %jit3A_679 = arith.constant 2 : i32
      %div3A_680 = arith.divsi %add3A_678, %jit3A_679 : i32
      %sign3A_681 = arith.constant 0 : i32
      %sign3A_682 = arith.cmpi sgt, %add3A_678, %sign3A_681 : i32
      %sign3A_683 = arith.extui %sign3A_682 : i1 to i32
      %sign3A_684 = arith.constant 0 : i32
      %sign3A_685 = arith.cmpi slt, %add3A_678, %sign3A_684 : i32
      %sign3A_686 = arith.extui %sign3A_685 : i1 to i32
      %sign3A_687 = arith.subi %sign3A_683, %sign3A_686 : i32
      %sign3A_688 = arith.constant 0 : i32
      %sign3A_689 = arith.cmpi sgt, %jit3A_679, %sign3A_688 : i32
      %sign3A_690 = arith.extui %sign3A_689 : i1 to i32
      %sign3A_691 = arith.constant 0 : i32
      %sign3A_692 = arith.cmpi slt, %jit3A_679, %sign3A_691 : i32
      %sign3A_693 = arith.extui %sign3A_692 : i1 to i32
      %sign3A_694 = arith.subi %sign3A_690, %sign3A_693 : i32
      %ne3A_695 = arith.cmpi ne, %sign3A_687, %sign3A_694 : i32
      %rem3A_696 = arith.remsi %add3A_678, %jit3A_679 : i32
      %ne3A_697 = arith.constant 0 : i32
      %ne3A_698 = arith.cmpi ne, %rem3A_696, %ne3A_697 : i32
      %and3A_699 = arith.andi %ne3A_695, %ne3A_698 : i1
      %sub3A_700 = arith.constant 1 : i32
      %sub3A_701 = arith.subi %div3A_680, %sub3A_700 : i32
      %select_n3A_702 = arith.select %and3A_699, %sub3A_701, %div3A_680 : i32
      %jit3A_703 = arith.constant 2 : i32
      %eq3A_704 = arith.constant 0 : i32
      %eq3A_705 = arith.cmpi eq, %jit3A_703, %eq3A_704 : i32
      %jit3A_706 = arith.constant 1 : i32
      %select_n3A_707 = arith.select %eq3A_705, %jit3A_706, %jit3A_703 : i32
      %rem3A_708 = arith.remsi %add3A_678, %select_n3A_707 : i32
      %ne3A_709 = arith.constant 0 : i32
      %ne3A_710 = arith.cmpi ne, %rem3A_708, %ne3A_709 : i32
      %lt3A_711 = arith.constant 0 : i32
      %lt3A_712 = arith.cmpi slt, %rem3A_708, %lt3A_711 : i32
      %lt3A_713 = arith.constant 0 : i32
      %lt3A_714 = arith.cmpi slt, %select_n3A_707, %lt3A_713 : i32
      %ne3A_715 = arith.xori %lt3A_712, %lt3A_714 : i1
      %and3A_716 = arith.andi %ne3A_715, %ne3A_710 : i1
      %add3A_717 = arith.addi %rem3A_708, %select_n3A_707 : i32
      %select_n3A_718 = arith.select %and3A_716, %add3A_717, %rem3A_708 : i32
      %mul3A_719 = arith.constant 64 : i32
      %mul3A_720 = arith.muli %select_n3A_718, %mul3A_719 : i32
      %add3A_721 = arith.addi %mul3A_2, %mul3A_720 : i32
      %dma_wait3A_722 = arith.constant 0 : i32
      %dma_wait3A_723 = arith.constant 0 : i32
      %dma_wait3A_724 = arith.constant 0 : i32
      %dma_wait3A_725 = arith.constant 0 : i32
      %dma_wait3A_726 = tpu.memref_slice %arg6[%dma_wait3A_722, %dma_wait3A_724, %dma_wait3A_725] : memref<5x64x128xf32, #tpu.memory_space<vmem>> -> memref<1x64x128xf32, #tpu.memory_space<vmem>>
      %dma_wait3A_727 = tpu.memref_squeeze %dma_wait3A_726 : memref<1x64x128xf32, #tpu.memory_space<vmem>> -> memref<64x128xf32, #tpu.memory_space<vmem>>
      %dma_wait3A_728 = arith.constant 0 : i32
      %dma_wait3A_729 = tpu.memref_slice %arg4[%select_n3A_702, %add3A_721, %dma_wait3A_728] : memref<50x4096x128xf32, #tpu.memory_space<hbm>> -> memref<1x64x128xf32, #tpu.memory_space<hbm>>
      %dma_wait3A_730 = tpu.memref_squeeze %dma_wait3A_729 : memref<1x64x128xf32, #tpu.memory_space<hbm>> -> memref<64x128xf32, #tpu.memory_space<hbm>>
      %dma_wait3A_731 = tpu.memref_slice %arg8[%dma_wait3A_723] : memref<5x!tpu.dma_semaphore, #tpu.memory_space<semaphore_mem>> -> memref<1x!tpu.dma_semaphore, #tpu.memory_space<semaphore_mem>>
      %dma_wait3A_732 = tpu.memref_squeeze %dma_wait3A_731 : memref<1x!tpu.dma_semaphore, #tpu.memory_space<semaphore_mem>> -> memref<!tpu.dma_semaphore, #tpu.memory_space<semaphore_mem>>
      %dma_wait3A_733 = arith.constant 0 : i32
      %dma_wait3A_734 = tpu.memref_slice %arg4[%select_n3A_702, %add3A_721, %dma_wait3A_733] : memref<50x4096x128xf32, #tpu.memory_space<hbm>> -> memref<1x64x128xf32, #tpu.memory_space<hbm>>
      %dma_wait3A_735 = tpu.memref_squeeze %dma_wait3A_734 : memref<1x64x128xf32, #tpu.memory_space<hbm>> -> memref<64x128xf32, #tpu.memory_space<hbm>>
      %dma_wait3A_736 = arith.constant 0 : i32
      %dma_wait3A_737 = arith.constant 0 : i32
      %dma_wait3A_738 = tpu.memref_slice %arg6[%dma_wait3A_722, %dma_wait3A_736, %dma_wait3A_737] : memref<5x64x128xf32, #tpu.memory_space<vmem>> -> memref<1x64x128xf32, #tpu.memory_space<vmem>>
      %dma_wait3A_739 = tpu.memref_squeeze %dma_wait3A_738 : memref<1x64x128xf32, #tpu.memory_space<vmem>> -> memref<64x128xf32, #tpu.memory_space<vmem>>
      tpu.wait_dma2 semaphore(%dma_wait3A_732 : memref<!tpu.dma_semaphore, #tpu.memory_space<semaphore_mem>>) src(%dma_wait3A_739 : memref<64x128xf32, #tpu.memory_space<vmem>>) dst(%dma_wait3A_735 : memref<64x128xf32, #tpu.memory_space<hbm>>)
      %add3A_740 = arith.constant 5 : i32
      %add3A_741 = arith.addi %mul3A_87, %add3A_740 : i32
      %add3A_742 = arith.constant 0 : i32
      %add3A_743 = arith.addi %add3A_741, %add3A_742 : i32
      %lt3A_744 = arith.constant 100 : i32
      %lt3A_745 = arith.cmpi slt, %add3A_743, %lt3A_744 : i32
      %convert_element_type3A = arith.extui %lt3A_745 : i1 to i32
      %cond3A = arith.constant 0 : i32
      %cond3A_746 = arith.cmpi ne, %convert_element_type3A, %cond3A : i32
      scf.if %cond3A_746 {
        %jit3A_1035 = arith.constant 2 : i32
        %div3A_1036 = arith.divsi %add3A_743, %jit3A_1035 : i32
        %sign3A_1037 = arith.constant 0 : i32
        %sign3A_1038 = arith.cmpi sgt, %add3A_743, %sign3A_1037 : i32
        %sign3A_1039 = arith.extui %sign3A_1038 : i1 to i32
        %sign3A_1040 = arith.constant 0 : i32
        %sign3A_1041 = arith.cmpi slt, %add3A_743, %sign3A_1040 : i32
        %sign3A_1042 = arith.extui %sign3A_1041 : i1 to i32
        %sign3A_1043 = arith.subi %sign3A_1039, %sign3A_1042 : i32
        %sign3A_1044 = arith.constant 0 : i32
        %sign3A_1045 = arith.cmpi sgt, %jit3A_1035, %sign3A_1044 : i32
        %sign3A_1046 = arith.extui %sign3A_1045 : i1 to i32
        %sign3A_1047 = arith.constant 0 : i32
        %sign3A_1048 = arith.cmpi slt, %jit3A_1035, %sign3A_1047 : i32
        %sign3A_1049 = arith.extui %sign3A_1048 : i1 to i32
        %sign3A_1050 = arith.subi %sign3A_1046, %sign3A_1049 : i32
        %ne3A_1051 = arith.cmpi ne, %sign3A_1043, %sign3A_1050 : i32
        %rem3A_1052 = arith.remsi %add3A_743, %jit3A_1035 : i32
        %ne3A_1053 = arith.constant 0 : i32
        %ne3A_1054 = arith.cmpi ne, %rem3A_1052, %ne3A_1053 : i32
        %and3A_1055 = arith.andi %ne3A_1051, %ne3A_1054 : i1
        %sub3A_1056 = arith.constant 1 : i32
        %sub3A_1057 = arith.subi %div3A_1036, %sub3A_1056 : i32
        %select_n3A_1058 = arith.select %and3A_1055, %sub3A_1057, %div3A_1036 : i32
        %jit3A_1059 = arith.constant 2 : i32
        %eq3A_1060 = arith.constant 0 : i32
        %eq3A_1061 = arith.cmpi eq, %jit3A_1059, %eq3A_1060 : i32
        %jit3A_1062 = arith.constant 1 : i32
        %select_n3A_1063 = arith.select %eq3A_1061, %jit3A_1062, %jit3A_1059 : i32
        %rem3A_1064 = arith.remsi %add3A_743, %select_n3A_1063 : i32
        %ne3A_1065 = arith.constant 0 : i32
        %ne3A_1066 = arith.cmpi ne, %rem3A_1064, %ne3A_1065 : i32
        %lt3A_1067 = arith.constant 0 : i32
        %lt3A_1068 = arith.cmpi slt, %rem3A_1064, %lt3A_1067 : i32
        %lt3A_1069 = arith.constant 0 : i32
        %lt3A_1070 = arith.cmpi slt, %select_n3A_1063, %lt3A_1069 : i32
        %ne3A_1071 = arith.xori %lt3A_1068, %lt3A_1070 : i1
        %and3A_1072 = arith.andi %ne3A_1071, %ne3A_1066 : i1
        %add3A_1073 = arith.addi %rem3A_1064, %select_n3A_1063 : i32
        %select_n3A_1074 = arith.select %and3A_1072, %add3A_1073, %rem3A_1064 : i32
        %mul3A_1075 = arith.constant 64 : i32
        %mul3A_1076 = arith.muli %select_n3A_1074, %mul3A_1075 : i32
        %dma_start3A_1077 = arith.constant 0 : i32
        %dma_start3A_1078 = arith.constant 0 : i32
        %dma_start3A_1079 = arith.constant 0 : i32
        %dma_start3A_1080 = arith.constant 0 : i32
        %dma_start3A_1081 = tpu.memref_slice %arg6[%dma_start3A_1077, %dma_start3A_1079, %dma_start3A_1080] : memref<5x64x128xf32, #tpu.memory_space<vmem>> -> memref<1x64x128xf32, #tpu.memory_space<vmem>>
        %dma_start3A_1082 = tpu.memref_squeeze %dma_start3A_1081 : memref<1x64x128xf32, #tpu.memory_space<vmem>> -> memref<64x128xf32, #tpu.memory_space<vmem>>
        %dma_start3A_1083 = tpu.memref_slice %arg5[%select_n3A_1058, %mul3A_1076] : memref<50x128xi32, #tpu.memory_space<vmem>> -> memref<1x64xi32, #tpu.memory_space<vmem>>
        %dma_start3A_1084 = tpu.memref_squeeze %dma_start3A_1083 : memref<1x64xi32, #tpu.memory_space<vmem>> -> memref<64xi32, #tpu.memory_space<vmem>>
        %dma_start3A_1085 = arith.constant 0 : i32
        %dma_start3A_1086 = arith.constant 0 : i32
        %dma_start3A_1087 = tpu.memref_slice %arg3[%dma_start3A_1085, %dma_start3A_1086] : memref<100000x128xf32, #tpu.memory_space<hbm>> -> memref<100000x128xf32, #tpu.memory_space<hbm>>
        %dma_start3A_1088 = tpu.memref_slice %arg7[%dma_start3A_1078] : memref<5x!tpu.dma_semaphore, #tpu.memory_space<semaphore_mem>> -> memref<1x!tpu.dma_semaphore, #tpu.memory_space<semaphore_mem>>
        %dma_start3A_1089 = tpu.memref_squeeze %dma_start3A_1088 : memref<1x!tpu.dma_semaphore, #tpu.memory_space<semaphore_mem>> -> memref<!tpu.dma_semaphore, #tpu.memory_space<semaphore_mem>>
        tpu.enqueue_indirect_dma source(%dma_start3A_1087 : memref<100000x128xf32, #tpu.memory_space<hbm>>) target(%dma_start3A_1082 : memref<64x128xf32, #tpu.memory_space<vmem>>) offsets(%dma_start3A_1084 : memref<64xi32, #tpu.memory_space<vmem>>) semaphore(%dma_start3A_1089 : memref<!tpu.dma_semaphore, #tpu.memory_space<semaphore_mem>>)
      } else {
      }
      %add3A_747 = arith.constant 1 : i32
      %add3A_748 = arith.addi %mul3A_87, %add3A_747 : i32
      %jit3A_749 = arith.constant 2 : i32
      %div3A_750 = arith.divsi %add3A_748, %jit3A_749 : i32
      %sign3A_751 = arith.constant 0 : i32
      %sign3A_752 = arith.cmpi sgt, %add3A_748, %sign3A_751 : i32
      %sign3A_753 = arith.extui %sign3A_752 : i1 to i32
      %sign3A_754 = arith.constant 0 : i32
      %sign3A_755 = arith.cmpi slt, %add3A_748, %sign3A_754 : i32
      %sign3A_756 = arith.extui %sign3A_755 : i1 to i32
      %sign3A_757 = arith.subi %sign3A_753, %sign3A_756 : i32
      %sign3A_758 = arith.constant 0 : i32
      %sign3A_759 = arith.cmpi sgt, %jit3A_749, %sign3A_758 : i32
      %sign3A_760 = arith.extui %sign3A_759 : i1 to i32
      %sign3A_761 = arith.constant 0 : i32
      %sign3A_762 = arith.cmpi slt, %jit3A_749, %sign3A_761 : i32
      %sign3A_763 = arith.extui %sign3A_762 : i1 to i32
      %sign3A_764 = arith.subi %sign3A_760, %sign3A_763 : i32
      %ne3A_765 = arith.cmpi ne, %sign3A_757, %sign3A_764 : i32
      %rem3A_766 = arith.remsi %add3A_748, %jit3A_749 : i32
      %ne3A_767 = arith.constant 0 : i32
      %ne3A_768 = arith.cmpi ne, %rem3A_766, %ne3A_767 : i32
      %and3A_769 = arith.andi %ne3A_765, %ne3A_768 : i1
      %sub3A_770 = arith.constant 1 : i32
      %sub3A_771 = arith.subi %div3A_750, %sub3A_770 : i32
      %select_n3A_772 = arith.select %and3A_769, %sub3A_771, %div3A_750 : i32
      %jit3A_773 = arith.constant 2 : i32
      %eq3A_774 = arith.constant 0 : i32
      %eq3A_775 = arith.cmpi eq, %jit3A_773, %eq3A_774 : i32
      %jit3A_776 = arith.constant 1 : i32
      %select_n3A_777 = arith.select %eq3A_775, %jit3A_776, %jit3A_773 : i32
      %rem3A_778 = arith.remsi %add3A_748, %select_n3A_777 : i32
      %ne3A_779 = arith.constant 0 : i32
      %ne3A_780 = arith.cmpi ne, %rem3A_778, %ne3A_779 : i32
      %lt3A_781 = arith.constant 0 : i32
      %lt3A_782 = arith.cmpi slt, %rem3A_778, %lt3A_781 : i32
      %lt3A_783 = arith.constant 0 : i32
      %lt3A_784 = arith.cmpi slt, %select_n3A_777, %lt3A_783 : i32
      %ne3A_785 = arith.xori %lt3A_782, %lt3A_784 : i1
      %and3A_786 = arith.andi %ne3A_785, %ne3A_780 : i1
      %add3A_787 = arith.addi %rem3A_778, %select_n3A_777 : i32
      %select_n3A_788 = arith.select %and3A_786, %add3A_787, %rem3A_778 : i32
      %mul3A_789 = arith.constant 64 : i32
      %mul3A_790 = arith.muli %select_n3A_788, %mul3A_789 : i32
      %add3A_791 = arith.addi %mul3A_2, %mul3A_790 : i32
      %dma_wait3A_792 = arith.constant 1 : i32
      %dma_wait3A_793 = arith.constant 1 : i32
      %dma_wait3A_794 = arith.constant 0 : i32
      %dma_wait3A_795 = arith.constant 0 : i32
      %dma_wait3A_796 = tpu.memref_slice %arg6[%dma_wait3A_792, %dma_wait3A_794, %dma_wait3A_795] : memref<5x64x128xf32, #tpu.memory_space<vmem>> -> memref<1x64x128xf32, #tpu.memory_space<vmem>>
      %dma_wait3A_797 = tpu.memref_squeeze %dma_wait3A_796 : memref<1x64x128xf32, #tpu.memory_space<vmem>> -> memref<64x128xf32, #tpu.memory_space<vmem>>
      %dma_wait3A_798 = arith.constant 0 : i32
      %dma_wait3A_799 = tpu.memref_slice %arg4[%select_n3A_772, %add3A_791, %dma_wait3A_798] : memref<50x4096x128xf32, #tpu.memory_space<hbm>> -> memref<1x64x128xf32, #tpu.memory_space<hbm>>
      %dma_wait3A_800 = tpu.memref_squeeze %dma_wait3A_799 : memref<1x64x128xf32, #tpu.memory_space<hbm>> -> memref<64x128xf32, #tpu.memory_space<hbm>>
      %dma_wait3A_801 = tpu.memref_slice %arg8[%dma_wait3A_793] : memref<5x!tpu.dma_semaphore, #tpu.memory_space<semaphore_mem>> -> memref<1x!tpu.dma_semaphore, #tpu.memory_space<semaphore_mem>>
      %dma_wait3A_802 = tpu.memref_squeeze %dma_wait3A_801 : memref<1x!tpu.dma_semaphore, #tpu.memory_space<semaphore_mem>> -> memref<!tpu.dma_semaphore, #tpu.memory_space<semaphore_mem>>
      %dma_wait3A_803 = arith.constant 0 : i32
      %dma_wait3A_804 = tpu.memref_slice %arg4[%select_n3A_772, %add3A_791, %dma_wait3A_803] : memref<50x4096x128xf32, #tpu.memory_space<hbm>> -> memref<1x64x128xf32, #tpu.memory_space<hbm>>
      %dma_wait3A_805 = tpu.memref_squeeze %dma_wait3A_804 : memref<1x64x128xf32, #tpu.memory_space<hbm>> -> memref<64x128xf32, #tpu.memory_space<hbm>>
      %dma_wait3A_806 = arith.constant 0 : i32
      %dma_wait3A_807 = arith.constant 0 : i32
      %dma_wait3A_808 = tpu.memref_slice %arg6[%dma_wait3A_792, %dma_wait3A_806, %dma_wait3A_807] : memref<5x64x128xf32, #tpu.memory_space<vmem>> -> memref<1x64x128xf32, #tpu.memory_space<vmem>>
      %dma_wait3A_809 = tpu.memref_squeeze %dma_wait3A_808 : memref<1x64x128xf32, #tpu.memory_space<vmem>> -> memref<64x128xf32, #tpu.memory_space<vmem>>
      tpu.wait_dma2 semaphore(%dma_wait3A_802 : memref<!tpu.dma_semaphore, #tpu.memory_space<semaphore_mem>>) src(%dma_wait3A_809 : memref<64x128xf32, #tpu.memory_space<vmem>>) dst(%dma_wait3A_805 : memref<64x128xf32, #tpu.memory_space<hbm>>)
      %add3A_810 = arith.constant 5 : i32
      %add3A_811 = arith.addi %mul3A_87, %add3A_810 : i32
      %add3A_812 = arith.constant 1 : i32
      %add3A_813 = arith.addi %add3A_811, %add3A_812 : i32
      %lt3A_814 = arith.constant 100 : i32
      %lt3A_815 = arith.cmpi slt, %add3A_813, %lt3A_814 : i32
      %convert_element_type3A_816 = arith.extui %lt3A_815 : i1 to i32
      %cond3A_817 = arith.constant 0 : i32
      %cond3A_818 = arith.cmpi ne, %convert_element_type3A_816, %cond3A_817 : i32
      scf.if %cond3A_818 {
        %jit3A_1035 = arith.constant 2 : i32
        %div3A_1036 = arith.divsi %add3A_813, %jit3A_1035 : i32
        %sign3A_1037 = arith.constant 0 : i32
        %sign3A_1038 = arith.cmpi sgt, %add3A_813, %sign3A_1037 : i32
        %sign3A_1039 = arith.extui %sign3A_1038 : i1 to i32
        %sign3A_1040 = arith.constant 0 : i32
        %sign3A_1041 = arith.cmpi slt, %add3A_813, %sign3A_1040 : i32
        %sign3A_1042 = arith.extui %sign3A_1041 : i1 to i32
        %sign3A_1043 = arith.subi %sign3A_1039, %sign3A_1042 : i32
        %sign3A_1044 = arith.constant 0 : i32
        %sign3A_1045 = arith.cmpi sgt, %jit3A_1035, %sign3A_1044 : i32
        %sign3A_1046 = arith.extui %sign3A_1045 : i1 to i32
        %sign3A_1047 = arith.constant 0 : i32
        %sign3A_1048 = arith.cmpi slt, %jit3A_1035, %sign3A_1047 : i32
        %sign3A_1049 = arith.extui %sign3A_1048 : i1 to i32
        %sign3A_1050 = arith.subi %sign3A_1046, %sign3A_1049 : i32
        %ne3A_1051 = arith.cmpi ne, %sign3A_1043, %sign3A_1050 : i32
        %rem3A_1052 = arith.remsi %add3A_813, %jit3A_1035 : i32
        %ne3A_1053 = arith.constant 0 : i32
        %ne3A_1054 = arith.cmpi ne, %rem3A_1052, %ne3A_1053 : i32
        %and3A_1055 = arith.andi %ne3A_1051, %ne3A_1054 : i1
        %sub3A_1056 = arith.constant 1 : i32
        %sub3A_1057 = arith.subi %div3A_1036, %sub3A_1056 : i32
        %select_n3A_1058 = arith.select %and3A_1055, %sub3A_1057, %div3A_1036 : i32
        %jit3A_1059 = arith.constant 2 : i32
        %eq3A_1060 = arith.constant 0 : i32
        %eq3A_1061 = arith.cmpi eq, %jit3A_1059, %eq3A_1060 : i32
        %jit3A_1062 = arith.constant 1 : i32
        %select_n3A_1063 = arith.select %eq3A_1061, %jit3A_1062, %jit3A_1059 : i32
        %rem3A_1064 = arith.remsi %add3A_813, %select_n3A_1063 : i32
        %ne3A_1065 = arith.constant 0 : i32
        %ne3A_1066 = arith.cmpi ne, %rem3A_1064, %ne3A_1065 : i32
        %lt3A_1067 = arith.constant 0 : i32
        %lt3A_1068 = arith.cmpi slt, %rem3A_1064, %lt3A_1067 : i32
        %lt3A_1069 = arith.constant 0 : i32
        %lt3A_1070 = arith.cmpi slt, %select_n3A_1063, %lt3A_1069 : i32
        %ne3A_1071 = arith.xori %lt3A_1068, %lt3A_1070 : i1
        %and3A_1072 = arith.andi %ne3A_1071, %ne3A_1066 : i1
        %add3A_1073 = arith.addi %rem3A_1064, %select_n3A_1063 : i32
        %select_n3A_1074 = arith.select %and3A_1072, %add3A_1073, %rem3A_1064 : i32
        %mul3A_1075 = arith.constant 64 : i32
        %mul3A_1076 = arith.muli %select_n3A_1074, %mul3A_1075 : i32
        %dma_start3A_1077 = arith.constant 1 : i32
        %dma_start3A_1078 = arith.constant 1 : i32
        %dma_start3A_1079 = arith.constant 0 : i32
        %dma_start3A_1080 = arith.constant 0 : i32
        %dma_start3A_1081 = tpu.memref_slice %arg6[%dma_start3A_1077, %dma_start3A_1079, %dma_start3A_1080] : memref<5x64x128xf32, #tpu.memory_space<vmem>> -> memref<1x64x128xf32, #tpu.memory_space<vmem>>
        %dma_start3A_1082 = tpu.memref_squeeze %dma_start3A_1081 : memref<1x64x128xf32, #tpu.memory_space<vmem>> -> memref<64x128xf32, #tpu.memory_space<vmem>>
        %dma_start3A_1083 = tpu.memref_slice %arg5[%select_n3A_1058, %mul3A_1076] : memref<50x128xi32, #tpu.memory_space<vmem>> -> memref<1x64xi32, #tpu.memory_space<vmem>>
        %dma_start3A_1084 = tpu.memref_squeeze %dma_start3A_1083 : memref<1x64xi32, #tpu.memory_space<vmem>> -> memref<64xi32, #tpu.memory_space<vmem>>
        %dma_start3A_1085 = arith.constant 0 : i32
        %dma_start3A_1086 = arith.constant 0 : i32
        %dma_start3A_1087 = tpu.memref_slice %arg3[%dma_start3A_1085, %dma_start3A_1086] : memref<100000x128xf32, #tpu.memory_space<hbm>> -> memref<100000x128xf32, #tpu.memory_space<hbm>>
        %dma_start3A_1088 = tpu.memref_slice %arg7[%dma_start3A_1078] : memref<5x!tpu.dma_semaphore, #tpu.memory_space<semaphore_mem>> -> memref<1x!tpu.dma_semaphore, #tpu.memory_space<semaphore_mem>>
        %dma_start3A_1089 = tpu.memref_squeeze %dma_start3A_1088 : memref<1x!tpu.dma_semaphore, #tpu.memory_space<semaphore_mem>> -> memref<!tpu.dma_semaphore, #tpu.memory_space<semaphore_mem>>
        tpu.enqueue_indirect_dma source(%dma_start3A_1087 : memref<100000x128xf32, #tpu.memory_space<hbm>>) target(%dma_start3A_1082 : memref<64x128xf32, #tpu.memory_space<vmem>>) offsets(%dma_start3A_1084 : memref<64xi32, #tpu.memory_space<vmem>>) semaphore(%dma_start3A_1089 : memref<!tpu.dma_semaphore, #tpu.memory_space<semaphore_mem>>)
      } else {
      }
      %add3A_819 = arith.constant 2 : i32
      %add3A_820 = arith.addi %mul3A_87, %add3A_819 : i32
      %jit3A_821 = arith.constant 2 : i32
      %div3A_822 = arith.divsi %add3A_820, %jit3A_821 : i32
      %sign3A_823 = arith.constant 0 : i32
      %sign3A_824 = arith.cmpi sgt, %add3A_820, %sign3A_823 : i32
      %sign3A_825 = arith.extui %sign3A_824 : i1 to i32
      %sign3A_826 = arith.constant 0 : i32
      %sign3A_827 = arith.cmpi slt, %add3A_820, %sign3A_826 : i32
      %sign3A_828 = arith.extui %sign3A_827 : i1 to i32
      %sign3A_829 = arith.subi %sign3A_825, %sign3A_828 : i32
      %sign3A_830 = arith.constant 0 : i32
      %sign3A_831 = arith.cmpi sgt, %jit3A_821, %sign3A_830 : i32
      %sign3A_832 = arith.extui %sign3A_831 : i1 to i32
      %sign3A_833 = arith.constant 0 : i32
      %sign3A_834 = arith.cmpi slt, %jit3A_821, %sign3A_833 : i32
      %sign3A_835 = arith.extui %sign3A_834 : i1 to i32
      %sign3A_836 = arith.subi %sign3A_832, %sign3A_835 : i32
      %ne3A_837 = arith.cmpi ne, %sign3A_829, %sign3A_836 : i32
      %rem3A_838 = arith.remsi %add3A_820, %jit3A_821 : i32
      %ne3A_839 = arith.constant 0 : i32
      %ne3A_840 = arith.cmpi ne, %rem3A_838, %ne3A_839 : i32
      %and3A_841 = arith.andi %ne3A_837, %ne3A_840 : i1
      %sub3A_842 = arith.constant 1 : i32
      %sub3A_843 = arith.subi %div3A_822, %sub3A_842 : i32
      %select_n3A_844 = arith.select %and3A_841, %sub3A_843, %div3A_822 : i32
      %jit3A_845 = arith.constant 2 : i32
      %eq3A_846 = arith.constant 0 : i32
      %eq3A_847 = arith.cmpi eq, %jit3A_845, %eq3A_846 : i32
      %jit3A_848 = arith.constant 1 : i32
      %select_n3A_849 = arith.select %eq3A_847, %jit3A_848, %jit3A_845 : i32
      %rem3A_850 = arith.remsi %add3A_820, %select_n3A_849 : i32
      %ne3A_851 = arith.constant 0 : i32
      %ne3A_852 = arith.cmpi ne, %rem3A_850, %ne3A_851 : i32
      %lt3A_853 = arith.constant 0 : i32
      %lt3A_854 = arith.cmpi slt, %rem3A_850, %lt3A_853 : i32
      %lt3A_855 = arith.constant 0 : i32
      %lt3A_856 = arith.cmpi slt, %select_n3A_849, %lt3A_855 : i32
      %ne3A_857 = arith.xori %lt3A_854, %lt3A_856 : i1
      %and3A_858 = arith.andi %ne3A_857, %ne3A_852 : i1
      %add3A_859 = arith.addi %rem3A_850, %select_n3A_849 : i32
      %select_n3A_860 = arith.select %and3A_858, %add3A_859, %rem3A_850 : i32
      %mul3A_861 = arith.constant 64 : i32
      %mul3A_862 = arith.muli %select_n3A_860, %mul3A_861 : i32
      %add3A_863 = arith.addi %mul3A_2, %mul3A_862 : i32
      %dma_wait3A_864 = arith.constant 2 : i32
      %dma_wait3A_865 = arith.constant 2 : i32
      %dma_wait3A_866 = arith.constant 0 : i32
      %dma_wait3A_867 = arith.constant 0 : i32
      %dma_wait3A_868 = tpu.memref_slice %arg6[%dma_wait3A_864, %dma_wait3A_866, %dma_wait3A_867] : memref<5x64x128xf32, #tpu.memory_space<vmem>> -> memref<1x64x128xf32, #tpu.memory_space<vmem>>
      %dma_wait3A_869 = tpu.memref_squeeze %dma_wait3A_868 : memref<1x64x128xf32, #tpu.memory_space<vmem>> -> memref<64x128xf32, #tpu.memory_space<vmem>>
      %dma_wait3A_870 = arith.constant 0 : i32
      %dma_wait3A_871 = tpu.memref_slice %arg4[%select_n3A_844, %add3A_863, %dma_wait3A_870] : memref<50x4096x128xf32, #tpu.memory_space<hbm>> -> memref<1x64x128xf32, #tpu.memory_space<hbm>>
      %dma_wait3A_872 = tpu.memref_squeeze %dma_wait3A_871 : memref<1x64x128xf32, #tpu.memory_space<hbm>> -> memref<64x128xf32, #tpu.memory_space<hbm>>
      %dma_wait3A_873 = tpu.memref_slice %arg8[%dma_wait3A_865] : memref<5x!tpu.dma_semaphore, #tpu.memory_space<semaphore_mem>> -> memref<1x!tpu.dma_semaphore, #tpu.memory_space<semaphore_mem>>
      %dma_wait3A_874 = tpu.memref_squeeze %dma_wait3A_873 : memref<1x!tpu.dma_semaphore, #tpu.memory_space<semaphore_mem>> -> memref<!tpu.dma_semaphore, #tpu.memory_space<semaphore_mem>>
      %dma_wait3A_875 = arith.constant 0 : i32
      %dma_wait3A_876 = tpu.memref_slice %arg4[%select_n3A_844, %add3A_863, %dma_wait3A_875] : memref<50x4096x128xf32, #tpu.memory_space<hbm>> -> memref<1x64x128xf32, #tpu.memory_space<hbm>>
      %dma_wait3A_877 = tpu.memref_squeeze %dma_wait3A_876 : memref<1x64x128xf32, #tpu.memory_space<hbm>> -> memref<64x128xf32, #tpu.memory_space<hbm>>
      %dma_wait3A_878 = arith.constant 0 : i32
      %dma_wait3A_879 = arith.constant 0 : i32
      %dma_wait3A_880 = tpu.memref_slice %arg6[%dma_wait3A_864, %dma_wait3A_878, %dma_wait3A_879] : memref<5x64x128xf32, #tpu.memory_space<vmem>> -> memref<1x64x128xf32, #tpu.memory_space<vmem>>
      %dma_wait3A_881 = tpu.memref_squeeze %dma_wait3A_880 : memref<1x64x128xf32, #tpu.memory_space<vmem>> -> memref<64x128xf32, #tpu.memory_space<vmem>>
      tpu.wait_dma2 semaphore(%dma_wait3A_874 : memref<!tpu.dma_semaphore, #tpu.memory_space<semaphore_mem>>) src(%dma_wait3A_881 : memref<64x128xf32, #tpu.memory_space<vmem>>) dst(%dma_wait3A_877 : memref<64x128xf32, #tpu.memory_space<hbm>>)
      %add3A_882 = arith.constant 5 : i32
      %add3A_883 = arith.addi %mul3A_87, %add3A_882 : i32
      %add3A_884 = arith.constant 2 : i32
      %add3A_885 = arith.addi %add3A_883, %add3A_884 : i32
      %lt3A_886 = arith.constant 100 : i32
      %lt3A_887 = arith.cmpi slt, %add3A_885, %lt3A_886 : i32
      %convert_element_type3A_888 = arith.extui %lt3A_887 : i1 to i32
      %cond3A_889 = arith.constant 0 : i32
      %cond3A_890 = arith.cmpi ne, %convert_element_type3A_888, %cond3A_889 : i32
      scf.if %cond3A_890 {
        %jit3A_1035 = arith.constant 2 : i32
        %div3A_1036 = arith.divsi %add3A_885, %jit3A_1035 : i32
        %sign3A_1037 = arith.constant 0 : i32
        %sign3A_1038 = arith.cmpi sgt, %add3A_885, %sign3A_1037 : i32
        %sign3A_1039 = arith.extui %sign3A_1038 : i1 to i32
        %sign3A_1040 = arith.constant 0 : i32
        %sign3A_1041 = arith.cmpi slt, %add3A_885, %sign3A_1040 : i32
        %sign3A_1042 = arith.extui %sign3A_1041 : i1 to i32
        %sign3A_1043 = arith.subi %sign3A_1039, %sign3A_1042 : i32
        %sign3A_1044 = arith.constant 0 : i32
        %sign3A_1045 = arith.cmpi sgt, %jit3A_1035, %sign3A_1044 : i32
        %sign3A_1046 = arith.extui %sign3A_1045 : i1 to i32
        %sign3A_1047 = arith.constant 0 : i32
        %sign3A_1048 = arith.cmpi slt, %jit3A_1035, %sign3A_1047 : i32
        %sign3A_1049 = arith.extui %sign3A_1048 : i1 to i32
        %sign3A_1050 = arith.subi %sign3A_1046, %sign3A_1049 : i32
        %ne3A_1051 = arith.cmpi ne, %sign3A_1043, %sign3A_1050 : i32
        %rem3A_1052 = arith.remsi %add3A_885, %jit3A_1035 : i32
        %ne3A_1053 = arith.constant 0 : i32
        %ne3A_1054 = arith.cmpi ne, %rem3A_1052, %ne3A_1053 : i32
        %and3A_1055 = arith.andi %ne3A_1051, %ne3A_1054 : i1
        %sub3A_1056 = arith.constant 1 : i32
        %sub3A_1057 = arith.subi %div3A_1036, %sub3A_1056 : i32
        %select_n3A_1058 = arith.select %and3A_1055, %sub3A_1057, %div3A_1036 : i32
        %jit3A_1059 = arith.constant 2 : i32
        %eq3A_1060 = arith.constant 0 : i32
        %eq3A_1061 = arith.cmpi eq, %jit3A_1059, %eq3A_1060 : i32
        %jit3A_1062 = arith.constant 1 : i32
        %select_n3A_1063 = arith.select %eq3A_1061, %jit3A_1062, %jit3A_1059 : i32
        %rem3A_1064 = arith.remsi %add3A_885, %select_n3A_1063 : i32
        %ne3A_1065 = arith.constant 0 : i32
        %ne3A_1066 = arith.cmpi ne, %rem3A_1064, %ne3A_1065 : i32
        %lt3A_1067 = arith.constant 0 : i32
        %lt3A_1068 = arith.cmpi slt, %rem3A_1064, %lt3A_1067 : i32
        %lt3A_1069 = arith.constant 0 : i32
        %lt3A_1070 = arith.cmpi slt, %select_n3A_1063, %lt3A_1069 : i32
        %ne3A_1071 = arith.xori %lt3A_1068, %lt3A_1070 : i1
        %and3A_1072 = arith.andi %ne3A_1071, %ne3A_1066 : i1
        %add3A_1073 = arith.addi %rem3A_1064, %select_n3A_1063 : i32
        %select_n3A_1074 = arith.select %and3A_1072, %add3A_1073, %rem3A_1064 : i32
        %mul3A_1075 = arith.constant 64 : i32
        %mul3A_1076 = arith.muli %select_n3A_1074, %mul3A_1075 : i32
        %dma_start3A_1077 = arith.constant 2 : i32
        %dma_start3A_1078 = arith.constant 2 : i32
        %dma_start3A_1079 = arith.constant 0 : i32
        %dma_start3A_1080 = arith.constant 0 : i32
        %dma_start3A_1081 = tpu.memref_slice %arg6[%dma_start3A_1077, %dma_start3A_1079, %dma_start3A_1080] : memref<5x64x128xf32, #tpu.memory_space<vmem>> -> memref<1x64x128xf32, #tpu.memory_space<vmem>>
        %dma_start3A_1082 = tpu.memref_squeeze %dma_start3A_1081 : memref<1x64x128xf32, #tpu.memory_space<vmem>> -> memref<64x128xf32, #tpu.memory_space<vmem>>
        %dma_start3A_1083 = tpu.memref_slice %arg5[%select_n3A_1058, %mul3A_1076] : memref<50x128xi32, #tpu.memory_space<vmem>> -> memref<1x64xi32, #tpu.memory_space<vmem>>
        %dma_start3A_1084 = tpu.memref_squeeze %dma_start3A_1083 : memref<1x64xi32, #tpu.memory_space<vmem>> -> memref<64xi32, #tpu.memory_space<vmem>>
        %dma_start3A_1085 = arith.constant 0 : i32
        %dma_start3A_1086 = arith.constant 0 : i32
        %dma_start3A_1087 = tpu.memref_slice %arg3[%dma_start3A_1085, %dma_start3A_1086] : memref<100000x128xf32, #tpu.memory_space<hbm>> -> memref<100000x128xf32, #tpu.memory_space<hbm>>
        %dma_start3A_1088 = tpu.memref_slice %arg7[%dma_start3A_1078] : memref<5x!tpu.dma_semaphore, #tpu.memory_space<semaphore_mem>> -> memref<1x!tpu.dma_semaphore, #tpu.memory_space<semaphore_mem>>
        %dma_start3A_1089 = tpu.memref_squeeze %dma_start3A_1088 : memref<1x!tpu.dma_semaphore, #tpu.memory_space<semaphore_mem>> -> memref<!tpu.dma_semaphore, #tpu.memory_space<semaphore_mem>>
        tpu.enqueue_indirect_dma source(%dma_start3A_1087 : memref<100000x128xf32, #tpu.memory_space<hbm>>) target(%dma_start3A_1082 : memref<64x128xf32, #tpu.memory_space<vmem>>) offsets(%dma_start3A_1084 : memref<64xi32, #tpu.memory_space<vmem>>) semaphore(%dma_start3A_1089 : memref<!tpu.dma_semaphore, #tpu.memory_space<semaphore_mem>>)
      } else {
      }
      %add3A_891 = arith.constant 3 : i32
      %add3A_892 = arith.addi %mul3A_87, %add3A_891 : i32
      %jit3A_893 = arith.constant 2 : i32
      %div3A_894 = arith.divsi %add3A_892, %jit3A_893 : i32
      %sign3A_895 = arith.constant 0 : i32
      %sign3A_896 = arith.cmpi sgt, %add3A_892, %sign3A_895 : i32
      %sign3A_897 = arith.extui %sign3A_896 : i1 to i32
      %sign3A_898 = arith.constant 0 : i32
      %sign3A_899 = arith.cmpi slt, %add3A_892, %sign3A_898 : i32
      %sign3A_900 = arith.extui %sign3A_899 : i1 to i32
      %sign3A_901 = arith.subi %sign3A_897, %sign3A_900 : i32
      %sign3A_902 = arith.constant 0 : i32
      %sign3A_903 = arith.cmpi sgt, %jit3A_893, %sign3A_902 : i32
      %sign3A_904 = arith.extui %sign3A_903 : i1 to i32
      %sign3A_905 = arith.constant 0 : i32
      %sign3A_906 = arith.cmpi slt, %jit3A_893, %sign3A_905 : i32
      %sign3A_907 = arith.extui %sign3A_906 : i1 to i32
      %sign3A_908 = arith.subi %sign3A_904, %sign3A_907 : i32
      %ne3A_909 = arith.cmpi ne, %sign3A_901, %sign3A_908 : i32
      %rem3A_910 = arith.remsi %add3A_892, %jit3A_893 : i32
      %ne3A_911 = arith.constant 0 : i32
      %ne3A_912 = arith.cmpi ne, %rem3A_910, %ne3A_911 : i32
      %and3A_913 = arith.andi %ne3A_909, %ne3A_912 : i1
      %sub3A_914 = arith.constant 1 : i32
      %sub3A_915 = arith.subi %div3A_894, %sub3A_914 : i32
      %select_n3A_916 = arith.select %and3A_913, %sub3A_915, %div3A_894 : i32
      %jit3A_917 = arith.constant 2 : i32
      %eq3A_918 = arith.constant 0 : i32
      %eq3A_919 = arith.cmpi eq, %jit3A_917, %eq3A_918 : i32
      %jit3A_920 = arith.constant 1 : i32
      %select_n3A_921 = arith.select %eq3A_919, %jit3A_920, %jit3A_917 : i32
      %rem3A_922 = arith.remsi %add3A_892, %select_n3A_921 : i32
      %ne3A_923 = arith.constant 0 : i32
      %ne3A_924 = arith.cmpi ne, %rem3A_922, %ne3A_923 : i32
      %lt3A_925 = arith.constant 0 : i32
      %lt3A_926 = arith.cmpi slt, %rem3A_922, %lt3A_925 : i32
      %lt3A_927 = arith.constant 0 : i32
      %lt3A_928 = arith.cmpi slt, %select_n3A_921, %lt3A_927 : i32
      %ne3A_929 = arith.xori %lt3A_926, %lt3A_928 : i1
      %and3A_930 = arith.andi %ne3A_929, %ne3A_924 : i1
      %add3A_931 = arith.addi %rem3A_922, %select_n3A_921 : i32
      %select_n3A_932 = arith.select %and3A_930, %add3A_931, %rem3A_922 : i32
      %mul3A_933 = arith.constant 64 : i32
      %mul3A_934 = arith.muli %select_n3A_932, %mul3A_933 : i32
      %add3A_935 = arith.addi %mul3A_2, %mul3A_934 : i32
      %dma_wait3A_936 = arith.constant 3 : i32
      %dma_wait3A_937 = arith.constant 3 : i32
      %dma_wait3A_938 = arith.constant 0 : i32
      %dma_wait3A_939 = arith.constant 0 : i32
      %dma_wait3A_940 = tpu.memref_slice %arg6[%dma_wait3A_936, %dma_wait3A_938, %dma_wait3A_939] : memref<5x64x128xf32, #tpu.memory_space<vmem>> -> memref<1x64x128xf32, #tpu.memory_space<vmem>>
      %dma_wait3A_941 = tpu.memref_squeeze %dma_wait3A_940 : memref<1x64x128xf32, #tpu.memory_space<vmem>> -> memref<64x128xf32, #tpu.memory_space<vmem>>
      %dma_wait3A_942 = arith.constant 0 : i32
      %dma_wait3A_943 = tpu.memref_slice %arg4[%select_n3A_916, %add3A_935, %dma_wait3A_942] : memref<50x4096x128xf32, #tpu.memory_space<hbm>> -> memref<1x64x128xf32, #tpu.memory_space<hbm>>
      %dma_wait3A_944 = tpu.memref_squeeze %dma_wait3A_943 : memref<1x64x128xf32, #tpu.memory_space<hbm>> -> memref<64x128xf32, #tpu.memory_space<hbm>>
      %dma_wait3A_945 = tpu.memref_slice %arg8[%dma_wait3A_937] : memref<5x!tpu.dma_semaphore, #tpu.memory_space<semaphore_mem>> -> memref<1x!tpu.dma_semaphore, #tpu.memory_space<semaphore_mem>>
      %dma_wait3A_946 = tpu.memref_squeeze %dma_wait3A_945 : memref<1x!tpu.dma_semaphore, #tpu.memory_space<semaphore_mem>> -> memref<!tpu.dma_semaphore, #tpu.memory_space<semaphore_mem>>
      %dma_wait3A_947 = arith.constant 0 : i32
      %dma_wait3A_948 = tpu.memref_slice %arg4[%select_n3A_916, %add3A_935, %dma_wait3A_947] : memref<50x4096x128xf32, #tpu.memory_space<hbm>> -> memref<1x64x128xf32, #tpu.memory_space<hbm>>
      %dma_wait3A_949 = tpu.memref_squeeze %dma_wait3A_948 : memref<1x64x128xf32, #tpu.memory_space<hbm>> -> memref<64x128xf32, #tpu.memory_space<hbm>>
      %dma_wait3A_950 = arith.constant 0 : i32
      %dma_wait3A_951 = arith.constant 0 : i32
      %dma_wait3A_952 = tpu.memref_slice %arg6[%dma_wait3A_936, %dma_wait3A_950, %dma_wait3A_951] : memref<5x64x128xf32, #tpu.memory_space<vmem>> -> memref<1x64x128xf32, #tpu.memory_space<vmem>>
      %dma_wait3A_953 = tpu.memref_squeeze %dma_wait3A_952 : memref<1x64x128xf32, #tpu.memory_space<vmem>> -> memref<64x128xf32, #tpu.memory_space<vmem>>
      tpu.wait_dma2 semaphore(%dma_wait3A_946 : memref<!tpu.dma_semaphore, #tpu.memory_space<semaphore_mem>>) src(%dma_wait3A_953 : memref<64x128xf32, #tpu.memory_space<vmem>>) dst(%dma_wait3A_949 : memref<64x128xf32, #tpu.memory_space<hbm>>)
      %add3A_954 = arith.constant 5 : i32
      %add3A_955 = arith.addi %mul3A_87, %add3A_954 : i32
      %add3A_956 = arith.constant 3 : i32
      %add3A_957 = arith.addi %add3A_955, %add3A_956 : i32
      %lt3A_958 = arith.constant 100 : i32
      %lt3A_959 = arith.cmpi slt, %add3A_957, %lt3A_958 : i32
      %convert_element_type3A_960 = arith.extui %lt3A_959 : i1 to i32
      %cond3A_961 = arith.constant 0 : i32
      %cond3A_962 = arith.cmpi ne, %convert_element_type3A_960, %cond3A_961 : i32
      scf.if %cond3A_962 {
        %jit3A_1035 = arith.constant 2 : i32
        %div3A_1036 = arith.divsi %add3A_957, %jit3A_1035 : i32
        %sign3A_1037 = arith.constant 0 : i32
        %sign3A_1038 = arith.cmpi sgt, %add3A_957, %sign3A_1037 : i32
        %sign3A_1039 = arith.extui %sign3A_1038 : i1 to i32
        %sign3A_1040 = arith.constant 0 : i32
        %sign3A_1041 = arith.cmpi slt, %add3A_957, %sign3A_1040 : i32
        %sign3A_1042 = arith.extui %sign3A_1041 : i1 to i32
        %sign3A_1043 = arith.subi %sign3A_1039, %sign3A_1042 : i32
        %sign3A_1044 = arith.constant 0 : i32
        %sign3A_1045 = arith.cmpi sgt, %jit3A_1035, %sign3A_1044 : i32
        %sign3A_1046 = arith.extui %sign3A_1045 : i1 to i32
        %sign3A_1047 = arith.constant 0 : i32
        %sign3A_1048 = arith.cmpi slt, %jit3A_1035, %sign3A_1047 : i32
        %sign3A_1049 = arith.extui %sign3A_1048 : i1 to i32
        %sign3A_1050 = arith.subi %sign3A_1046, %sign3A_1049 : i32
        %ne3A_1051 = arith.cmpi ne, %sign3A_1043, %sign3A_1050 : i32
        %rem3A_1052 = arith.remsi %add3A_957, %jit3A_1035 : i32
        %ne3A_1053 = arith.constant 0 : i32
        %ne3A_1054 = arith.cmpi ne, %rem3A_1052, %ne3A_1053 : i32
        %and3A_1055 = arith.andi %ne3A_1051, %ne3A_1054 : i1
        %sub3A_1056 = arith.constant 1 : i32
        %sub3A_1057 = arith.subi %div3A_1036, %sub3A_1056 : i32
        %select_n3A_1058 = arith.select %and3A_1055, %sub3A_1057, %div3A_1036 : i32
        %jit3A_1059 = arith.constant 2 : i32
        %eq3A_1060 = arith.constant 0 : i32
        %eq3A_1061 = arith.cmpi eq, %jit3A_1059, %eq3A_1060 : i32
        %jit3A_1062 = arith.constant 1 : i32
        %select_n3A_1063 = arith.select %eq3A_1061, %jit3A_1062, %jit3A_1059 : i32
        %rem3A_1064 = arith.remsi %add3A_957, %select_n3A_1063 : i32
        %ne3A_1065 = arith.constant 0 : i32
        %ne3A_1066 = arith.cmpi ne, %rem3A_1064, %ne3A_1065 : i32
        %lt3A_1067 = arith.constant 0 : i32
        %lt3A_1068 = arith.cmpi slt, %rem3A_1064, %lt3A_1067 : i32
        %lt3A_1069 = arith.constant 0 : i32
        %lt3A_1070 = arith.cmpi slt, %select_n3A_1063, %lt3A_1069 : i32
        %ne3A_1071 = arith.xori %lt3A_1068, %lt3A_1070 : i1
        %and3A_1072 = arith.andi %ne3A_1071, %ne3A_1066 : i1
        %add3A_1073 = arith.addi %rem3A_1064, %select_n3A_1063 : i32
        %select_n3A_1074 = arith.select %and3A_1072, %add3A_1073, %rem3A_1064 : i32
        %mul3A_1075 = arith.constant 64 : i32
        %mul3A_1076 = arith.muli %select_n3A_1074, %mul3A_1075 : i32
        %dma_start3A_1077 = arith.constant 3 : i32
        %dma_start3A_1078 = arith.constant 3 : i32
        %dma_start3A_1079 = arith.constant 0 : i32
        %dma_start3A_1080 = arith.constant 0 : i32
        %dma_start3A_1081 = tpu.memref_slice %arg6[%dma_start3A_1077, %dma_start3A_1079, %dma_start3A_1080] : memref<5x64x128xf32, #tpu.memory_space<vmem>> -> memref<1x64x128xf32, #tpu.memory_space<vmem>>
        %dma_start3A_1082 = tpu.memref_squeeze %dma_start3A_1081 : memref<1x64x128xf32, #tpu.memory_space<vmem>> -> memref<64x128xf32, #tpu.memory_space<vmem>>
        %dma_start3A_1083 = tpu.memref_slice %arg5[%select_n3A_1058, %mul3A_1076] : memref<50x128xi32, #tpu.memory_space<vmem>> -> memref<1x64xi32, #tpu.memory_space<vmem>>
        %dma_start3A_1084 = tpu.memref_squeeze %dma_start3A_1083 : memref<1x64xi32, #tpu.memory_space<vmem>> -> memref<64xi32, #tpu.memory_space<vmem>>
        %dma_start3A_1085 = arith.constant 0 : i32
        %dma_start3A_1086 = arith.constant 0 : i32
        %dma_start3A_1087 = tpu.memref_slice %arg3[%dma_start3A_1085, %dma_start3A_1086] : memref<100000x128xf32, #tpu.memory_space<hbm>> -> memref<100000x128xf32, #tpu.memory_space<hbm>>
        %dma_start3A_1088 = tpu.memref_slice %arg7[%dma_start3A_1078] : memref<5x!tpu.dma_semaphore, #tpu.memory_space<semaphore_mem>> -> memref<1x!tpu.dma_semaphore, #tpu.memory_space<semaphore_mem>>
        %dma_start3A_1089 = tpu.memref_squeeze %dma_start3A_1088 : memref<1x!tpu.dma_semaphore, #tpu.memory_space<semaphore_mem>> -> memref<!tpu.dma_semaphore, #tpu.memory_space<semaphore_mem>>
        tpu.enqueue_indirect_dma source(%dma_start3A_1087 : memref<100000x128xf32, #tpu.memory_space<hbm>>) target(%dma_start3A_1082 : memref<64x128xf32, #tpu.memory_space<vmem>>) offsets(%dma_start3A_1084 : memref<64xi32, #tpu.memory_space<vmem>>) semaphore(%dma_start3A_1089 : memref<!tpu.dma_semaphore, #tpu.memory_space<semaphore_mem>>)
      } else {
      }
      %add3A_963 = arith.constant 4 : i32
      %add3A_964 = arith.addi %mul3A_87, %add3A_963 : i32
      %jit3A_965 = arith.constant 2 : i32
      %div3A_966 = arith.divsi %add3A_964, %jit3A_965 : i32
      %sign3A_967 = arith.constant 0 : i32
      %sign3A_968 = arith.cmpi sgt, %add3A_964, %sign3A_967 : i32
      %sign3A_969 = arith.extui %sign3A_968 : i1 to i32
      %sign3A_970 = arith.constant 0 : i32
      %sign3A_971 = arith.cmpi slt, %add3A_964, %sign3A_970 : i32
      %sign3A_972 = arith.extui %sign3A_971 : i1 to i32
      %sign3A_973 = arith.subi %sign3A_969, %sign3A_972 : i32
      %sign3A_974 = arith.constant 0 : i32
      %sign3A_975 = arith.cmpi sgt, %jit3A_965, %sign3A_974 : i32
      %sign3A_976 = arith.extui %sign3A_975 : i1 to i32
      %sign3A_977 = arith.constant 0 : i32
      %sign3A_978 = arith.cmpi slt, %jit3A_965, %sign3A_977 : i32
      %sign3A_979 = arith.extui %sign3A_978 : i1 to i32
      %sign3A_980 = arith.subi %sign3A_976, %sign3A_979 : i32
      %ne3A_981 = arith.cmpi ne, %sign3A_973, %sign3A_980 : i32
      %rem3A_982 = arith.remsi %add3A_964, %jit3A_965 : i32
      %ne3A_983 = arith.constant 0 : i32
      %ne3A_984 = arith.cmpi ne, %rem3A_982, %ne3A_983 : i32
      %and3A_985 = arith.andi %ne3A_981, %ne3A_984 : i1
      %sub3A_986 = arith.constant 1 : i32
      %sub3A_987 = arith.subi %div3A_966, %sub3A_986 : i32
      %select_n3A_988 = arith.select %and3A_985, %sub3A_987, %div3A_966 : i32
      %jit3A_989 = arith.constant 2 : i32
      %eq3A_990 = arith.constant 0 : i32
      %eq3A_991 = arith.cmpi eq, %jit3A_989, %eq3A_990 : i32
      %jit3A_992 = arith.constant 1 : i32
      %select_n3A_993 = arith.select %eq3A_991, %jit3A_992, %jit3A_989 : i32
      %rem3A_994 = arith.remsi %add3A_964, %select_n3A_993 : i32
      %ne3A_995 = arith.constant 0 : i32
      %ne3A_996 = arith.cmpi ne, %rem3A_994, %ne3A_995 : i32
      %lt3A_997 = arith.constant 0 : i32
      %lt3A_998 = arith.cmpi slt, %rem3A_994, %lt3A_997 : i32
      %lt3A_999 = arith.constant 0 : i32
      %lt3A_1000 = arith.cmpi slt, %select_n3A_993, %lt3A_999 : i32
      %ne3A_1001 = arith.xori %lt3A_998, %lt3A_1000 : i1
      %and3A_1002 = arith.andi %ne3A_1001, %ne3A_996 : i1
      %add3A_1003 = arith.addi %rem3A_994, %select_n3A_993 : i32
      %select_n3A_1004 = arith.select %and3A_1002, %add3A_1003, %rem3A_994 : i32
      %mul3A_1005 = arith.constant 64 : i32
      %mul3A_1006 = arith.muli %select_n3A_1004, %mul3A_1005 : i32
      %add3A_1007 = arith.addi %mul3A_2, %mul3A_1006 : i32
      %dma_wait3A_1008 = arith.constant 4 : i32
      %dma_wait3A_1009 = arith.constant 4 : i32
      %dma_wait3A_1010 = arith.constant 0 : i32
      %dma_wait3A_1011 = arith.constant 0 : i32
      %dma_wait3A_1012 = tpu.memref_slice %arg6[%dma_wait3A_1008, %dma_wait3A_1010, %dma_wait3A_1011] : memref<5x64x128xf32, #tpu.memory_space<vmem>> -> memref<1x64x128xf32, #tpu.memory_space<vmem>>
      %dma_wait3A_1013 = tpu.memref_squeeze %dma_wait3A_1012 : memref<1x64x128xf32, #tpu.memory_space<vmem>> -> memref<64x128xf32, #tpu.memory_space<vmem>>
      %dma_wait3A_1014 = arith.constant 0 : i32
      %dma_wait3A_1015 = tpu.memref_slice %arg4[%select_n3A_988, %add3A_1007, %dma_wait3A_1014] : memref<50x4096x128xf32, #tpu.memory_space<hbm>> -> memref<1x64x128xf32, #tpu.memory_space<hbm>>
      %dma_wait3A_1016 = tpu.memref_squeeze %dma_wait3A_1015 : memref<1x64x128xf32, #tpu.memory_space<hbm>> -> memref<64x128xf32, #tpu.memory_space<hbm>>
      %dma_wait3A_1017 = tpu.memref_slice %arg8[%dma_wait3A_1009] : memref<5x!tpu.dma_semaphore, #tpu.memory_space<semaphore_mem>> -> memref<1x!tpu.dma_semaphore, #tpu.memory_space<semaphore_mem>>
      %dma_wait3A_1018 = tpu.memref_squeeze %dma_wait3A_1017 : memref<1x!tpu.dma_semaphore, #tpu.memory_space<semaphore_mem>> -> memref<!tpu.dma_semaphore, #tpu.memory_space<semaphore_mem>>
      %dma_wait3A_1019 = arith.constant 0 : i32
      %dma_wait3A_1020 = tpu.memref_slice %arg4[%select_n3A_988, %add3A_1007, %dma_wait3A_1019] : memref<50x4096x128xf32, #tpu.memory_space<hbm>> -> memref<1x64x128xf32, #tpu.memory_space<hbm>>
      %dma_wait3A_1021 = tpu.memref_squeeze %dma_wait3A_1020 : memref<1x64x128xf32, #tpu.memory_space<hbm>> -> memref<64x128xf32, #tpu.memory_space<hbm>>
      %dma_wait3A_1022 = arith.constant 0 : i32
      %dma_wait3A_1023 = arith.constant 0 : i32
      %dma_wait3A_1024 = tpu.memref_slice %arg6[%dma_wait3A_1008, %dma_wait3A_1022, %dma_wait3A_1023] : memref<5x64x128xf32, #tpu.memory_space<vmem>> -> memref<1x64x128xf32, #tpu.memory_space<vmem>>
      %dma_wait3A_1025 = tpu.memref_squeeze %dma_wait3A_1024 : memref<1x64x128xf32, #tpu.memory_space<vmem>> -> memref<64x128xf32, #tpu.memory_space<vmem>>
      tpu.wait_dma2 semaphore(%dma_wait3A_1018 : memref<!tpu.dma_semaphore, #tpu.memory_space<semaphore_mem>>) src(%dma_wait3A_1025 : memref<64x128xf32, #tpu.memory_space<vmem>>) dst(%dma_wait3A_1021 : memref<64x128xf32, #tpu.memory_space<hbm>>)
      %add3A_1026 = arith.constant 5 : i32
      %add3A_1027 = arith.addi %mul3A_87, %add3A_1026 : i32
      %add3A_1028 = arith.constant 4 : i32
      %add3A_1029 = arith.addi %add3A_1027, %add3A_1028 : i32
      %lt3A_1030 = arith.constant 100 : i32
      %lt3A_1031 = arith.cmpi slt, %add3A_1029, %lt3A_1030 : i32
      %convert_element_type3A_1032 = arith.extui %lt3A_1031 : i1 to i32
      %cond3A_1033 = arith.constant 0 : i32
      %cond3A_1034 = arith.cmpi ne, %convert_element_type3A_1032, %cond3A_1033 : i32
      scf.if %cond3A_1034 {
        %jit3A_1035 = arith.constant 2 : i32
        %div3A_1036 = arith.divsi %add3A_1029, %jit3A_1035 : i32
        %sign3A_1037 = arith.constant 0 : i32
        %sign3A_1038 = arith.cmpi sgt, %add3A_1029, %sign3A_1037 : i32
        %sign3A_1039 = arith.extui %sign3A_1038 : i1 to i32
        %sign3A_1040 = arith.constant 0 : i32
        %sign3A_1041 = arith.cmpi slt, %add3A_1029, %sign3A_1040 : i32
        %sign3A_1042 = arith.extui %sign3A_1041 : i1 to i32
        %sign3A_1043 = arith.subi %sign3A_1039, %sign3A_1042 : i32
        %sign3A_1044 = arith.constant 0 : i32
        %sign3A_1045 = arith.cmpi sgt, %jit3A_1035, %sign3A_1044 : i32
        %sign3A_1046 = arith.extui %sign3A_1045 : i1 to i32
        %sign3A_1047 = arith.constant 0 : i32
        %sign3A_1048 = arith.cmpi slt, %jit3A_1035, %sign3A_1047 : i32
        %sign3A_1049 = arith.extui %sign3A_1048 : i1 to i32
        %sign3A_1050 = arith.subi %sign3A_1046, %sign3A_1049 : i32
        %ne3A_1051 = arith.cmpi ne, %sign3A_1043, %sign3A_1050 : i32
        %rem3A_1052 = arith.remsi %add3A_1029, %jit3A_1035 : i32
        %ne3A_1053 = arith.constant 0 : i32
        %ne3A_1054 = arith.cmpi ne, %rem3A_1052, %ne3A_1053 : i32
        %and3A_1055 = arith.andi %ne3A_1051, %ne3A_1054 : i1
        %sub3A_1056 = arith.constant 1 : i32
        %sub3A_1057 = arith.subi %div3A_1036, %sub3A_1056 : i32
        %select_n3A_1058 = arith.select %and3A_1055, %sub3A_1057, %div3A_1036 : i32
        %jit3A_1059 = arith.constant 2 : i32
        %eq3A_1060 = arith.constant 0 : i32
        %eq3A_1061 = arith.cmpi eq, %jit3A_1059, %eq3A_1060 : i32
        %jit3A_1062 = arith.constant 1 : i32
        %select_n3A_1063 = arith.select %eq3A_1061, %jit3A_1062, %jit3A_1059 : i32
        %rem3A_1064 = arith.remsi %add3A_1029, %select_n3A_1063 : i32
        %ne3A_1065 = arith.constant 0 : i32
        %ne3A_1066 = arith.cmpi ne, %rem3A_1064, %ne3A_1065 : i32
        %lt3A_1067 = arith.constant 0 : i32
        %lt3A_1068 = arith.cmpi slt, %rem3A_1064, %lt3A_1067 : i32
        %lt3A_1069 = arith.constant 0 : i32
        %lt3A_1070 = arith.cmpi slt, %select_n3A_1063, %lt3A_1069 : i32
        %ne3A_1071 = arith.xori %lt3A_1068, %lt3A_1070 : i1
        %and3A_1072 = arith.andi %ne3A_1071, %ne3A_1066 : i1
        %add3A_1073 = arith.addi %rem3A_1064, %select_n3A_1063 : i32
        %select_n3A_1074 = arith.select %and3A_1072, %add3A_1073, %rem3A_1064 : i32
        %mul3A_1075 = arith.constant 64 : i32
        %mul3A_1076 = arith.muli %select_n3A_1074, %mul3A_1075 : i32
        %dma_start3A_1077 = arith.constant 4 : i32
        %dma_start3A_1078 = arith.constant 4 : i32
        %dma_start3A_1079 = arith.constant 0 : i32
        %dma_start3A_1080 = arith.constant 0 : i32
        %dma_start3A_1081 = tpu.memref_slice %arg6[%dma_start3A_1077, %dma_start3A_1079, %dma_start3A_1080] : memref<5x64x128xf32, #tpu.memory_space<vmem>> -> memref<1x64x128xf32, #tpu.memory_space<vmem>>
        %dma_start3A_1082 = tpu.memref_squeeze %dma_start3A_1081 : memref<1x64x128xf32, #tpu.memory_space<vmem>> -> memref<64x128xf32, #tpu.memory_space<vmem>>
        %dma_start3A_1083 = tpu.memref_slice %arg5[%select_n3A_1058, %mul3A_1076] : memref<50x128xi32, #tpu.memory_space<vmem>> -> memref<1x64xi32, #tpu.memory_space<vmem>>
        %dma_start3A_1084 = tpu.memref_squeeze %dma_start3A_1083 : memref<1x64xi32, #tpu.memory_space<vmem>> -> memref<64xi32, #tpu.memory_space<vmem>>
        %dma_start3A_1085 = arith.constant 0 : i32
        %dma_start3A_1086 = arith.constant 0 : i32
        %dma_start3A_1087 = tpu.memref_slice %arg3[%dma_start3A_1085, %dma_start3A_1086] : memref<100000x128xf32, #tpu.memory_space<hbm>> -> memref<100000x128xf32, #tpu.memory_space<hbm>>
        %dma_start3A_1088 = tpu.memref_slice %arg7[%dma_start3A_1078] : memref<5x!tpu.dma_semaphore, #tpu.memory_space<semaphore_mem>> -> memref<1x!tpu.dma_semaphore, #tpu.memory_space<semaphore_mem>>
        %dma_start3A_1089 = tpu.memref_squeeze %dma_start3A_1088 : memref<1x!tpu.dma_semaphore, #tpu.memory_space<semaphore_mem>> -> memref<!tpu.dma_semaphore, #tpu.memory_space<semaphore_mem>>
        tpu.enqueue_indirect_dma source(%dma_start3A_1087 : memref<100000x128xf32, #tpu.memory_space<hbm>>) target(%dma_start3A_1082 : memref<64x128xf32, #tpu.memory_space<vmem>>) offsets(%dma_start3A_1084 : memref<64xi32, #tpu.memory_space<vmem>>) semaphore(%dma_start3A_1089 : memref<!tpu.dma_semaphore, #tpu.memory_space<semaphore_mem>>)
      } else {
      }
    }
    %scan3A_80 = arith.constant 20 : i32
    return
  }
}

</mosaic_0001>

<sc_bundles>
// kernel: kernel.3.cloned.1.call-start
scs
__scs_entry_jumppad:
0x0: {  	(pc) =	sbr.rel $0x88, $3  }
0x1: {  	(tag) =	ssettag $0x0;
	lr =	simm.s32 $0x1  }
0x2: {  	[smem:$0x3F9F] =	sst lr;
	_ =	strace $0xD0000000  }
0x3: {  	_ = 	snop  }
0x4: {  	_ = 	snop  }
0x5: {  	_ = 	snop  }
0x6: {  	_ = 	snop  }
0x7: {  	_ = 	snop  }
__scs_overlays_trampoline_lowered:
0x8: {  	[smem:$0x3FAE] =	sst s0  }
0x9: {  	[smem:$0x3FAF] =	sst s1  }
0xa: {  	[smem:$0x3FB0] =	sst s2  }
0xb: {  	[smem:$0x3FB1] =	sst s3  }
0xc: {  	[smem:$0x3FB2] =	sst s4  }
0xd: {  	[smem:$0x3FB3] =	sst s5  }
0xe: {  	[smem:$0x3FB4] =	sst s6  }
0xf: {  	[smem:$0x3FB5] =	sst s7  }
0x10: {  	[smem:$0x3FB6] =	sst s8  }
0x11: {  	[smem:$0x3FB7] =	sst s9;
	s0 =	simm.s32 @!p0 $0x0  }
0x12: {  	s1 =	sld [smem:$0x3F9D];
	s0 =	simm.s32 @p0 $0x1  }
0x13: {  	[smem:$0x3FB8] =	sst s0;
	s0 =	simm.s32 @!p1 $0x0  }
0x14: {  	s2 =	sld [smem:$0x3F9C];
	s0 =	simm.s32 @p1 $0x1  }
0x15: {  	[smem:$0x3FB9] =	sst s0;
	s0 =	simm.s32 @!p2 $0x0  }
0x16: {  	s3 =	sld [smem:$0x3FDB];
	s0 =	simm.s32 @p2 $0x1  }
0x17: {  	s4 =	simm.s32 $0x1BF5;
	[smem:$0x3FBB] =	sst s0  }
0x18: {  	s0 =	sld [smem:$0x3F9E];
	_ =	swait.ge [sflag:s4], $0x0  }
0x19: {  	s7 =	sld [smem:$0x3F9F]  }
0x1a: {  	s8 =	sadd.s32 $0xFFFFE003, lr  }
0x1b: {  	s9 =	sadd.s32 $0xFFFFFEF7, lr;
	s5 =	simm.s32 $0xFFFFFFFF;
	p2 =	slt.u32 s8, $0xFFFFF086  }
0x1c: {  	p1 =	slt.u32 s9, $0xF7A;
	s5 =	simm.s32 @!p2 $0x0  }
0x1d: {  	s5 =	simm.s32 @p1 $0x1;
	p0 =	seq.s32 s7, s2  }
0x1e: {  	s7 =	smul.u32 @!p0 $0xF7A, s2;
	p2 =	seq.s32 @!p0 s5, $0x0  }
0x1f: {  	s9 =	smul.u32 $0xF7A, s1;
	s8 =	simm.s32 @!p0 $0x1BF5;
	p2 =	por !p2, p0  }
0x20: {  	[sflag:s8] =	ssyncset.s32 @!p0 $0xFFFFF086;
	s6 =	sadd.s32 @!p0 s3, s7;
	s7 =	simm.s32 @!p0 $0x108  }
0x21: {  	s3 =	sadd.s32 s3, s9;
	s6 =	sadd.s32 @!p0 $0x88, s6;
	s7 =	simm.s32 @p2 $0x1082  }
0x22: {  	[simem:s7], [sflag:s8] =	dma.local @!p0 [hbm:s6], $0xF7A  }
0x23: {  	s9 =	sor.u32 $0xD0000000, s2;
	s6 =	simm.s32 $0x108;
	_ =	swait.ge @!p0 [sflag:s8], $0x0  }
0x24: {  	s3 =	sadd.s32 $0x88, s3;
	s6 =	simm.s32 @!p1 $0x1082;
	[sflag:s4] =	ssyncset.s32 $0xFFFFF086  }
0x25: {  	[simem:s6], [sflag:s4] =	dma.local [hbm:s3], $0xF7A  }
0x26: {  	[smem:$0x3F9F] =	sst s1;
	(tag) =	ssettag s2;
	_ =	strace s9  }
0x27: {  	s1 =	sld [smem:$0x3FAF]  }
0x28: {  	s2 =	sld [smem:$0x3FB0]  }
0x29: {  	s4 =	sld [smem:$0x3FB2]  }
0x2a: {  	p0 =	seq.s32 s5, $0x0;
	s5 =	sld [smem:$0x3FB3]  }
0x2b: {  	s6 =	sld [smem:$0x3FB4]  }
0x2c: {  	s7 =	sld [smem:$0x3FB5]  }
0x2d: {  	s3 =	simm.s32 $0x108;
	s8 =	sld [smem:$0x3FB6]  }
0x2e: {  	s3 =	simm.s32 @!p0 $0x1082;
	s9 =	sld [smem:$0x3FB7]  }
0x2f: {  	lr =	sadd.s32 s0, s3;
	s0 =	sld [smem:$0x3FAE]  }
0x30: {  	s3 =	sld [smem:$0x3FB1]  }
0x31: {  	[smem:$0x3FBA] =	sst s10  }
0x32: {  	s10 =	sld [smem:$0x3FB8];
	_ =	sdelay $0x3  }
0x33: {  	p0 =	seq.s32 s10, $0x1;
	s10 =	sld [smem:$0x3FBA];
	_ =	sdelay $0x3  }
0x34: {  	[smem:$0x3FBA] =	sst s10  }
0x35: {  	s10 =	sld [smem:$0x3FB9];
	_ =	sdelay $0x3  }
0x36: {  	p1 =	seq.s32 s10, $0x1;
	s10 =	sld [smem:$0x3FBA];
	_ =	sdelay $0x3  }
0x37: {  	[smem:$0x3FBA] =	sst s10  }
0x38: {  	s10 =	sld [smem:$0x3FBB]  }
0x39: {  	_ = 	snop;
	(pc) =	sbr.ind lr, $3  }
0x3a: {  	_ = 	snop  }
0x3b: {  	_ = 	snop  }
0x3c: {  	p2 =	seq.s32 s10, $0x1;
	s10 =	sld [smem:$0x3FBA]  }
0x3d: {  	_ =	shalt  }
0x3e: {  	_ =	shalt  }
0x3f: {  	_ =	shalt  }
0x40: {  	_ =	shalt  }
0x41: {  	_ =	shalt  }
0x42: {  	_ =	shalt  }
0x43: {  	_ =	shalt  }
0x44: {  	_ =	shalt  }
0x45: {  	_ =	shalt  }
0x46: {  	_ =	shalt  }
0x47: {  	_ =	shalt  }
0x48: {  	_ =	shalt  }
0x49: {  	_ =	shalt  }
0x4a: {  	_ =	shalt  }
0x4b: {  	_ =	shalt  }
0x4c: {  	_ =	shalt  }
0x4d: {  	_ =	shalt  }
0x4e: {  	_ =	shalt  }
0x4f: {  	_ =	shalt  }
0x50: {  	_ =	shalt  }
0x51: {  	_ =	shalt  }
0x52: {  	_ =	shalt  }
0x53: {  	_ =	shalt  }
0x54: {  	_ =	shalt  }
0x55: {  	_ =	shalt  }
0x56: {  	_ =	shalt  }
0x57: {  	_ =	shalt  }
0x58: {  	_ =	shalt  }
0x59: {  	_ =	shalt  }
0x5a: {  	_ =	shalt  }
0x5b: {  	_ =	shalt  }
0x5c: {  	_ =	shalt  }
0x5d: {  	_ =	shalt  }
0x5e: {  	_ =	shalt  }
0x5f: {  	_ =	shalt  }
0x60: {  	_ =	shalt  }
0x61: {  	_ =	shalt  }
0x62: {  	_ =	shalt  }
0x63: {  	_ =	shalt  }
0x64: {  	_ =	shalt  }
0x65: {  	_ =	shalt  }
0x66: {  	_ =	shalt  }
0x67: {  	_ =	shalt  }
0x68: {  	_ =	shalt  }
0x69: {  	_ =	shalt  }
0x6a: {  	_ =	shalt  }
0x6b: {  	_ =	shalt  }
0x6c: {  	_ =	shalt  }
0x6d: {  	_ =	shalt  }
0x6e: {  	_ =	shalt  }
0x6f: {  	_ =	shalt  }
0x70: {  	_ =	shalt  }
0x71: {  	_ =	shalt  }
0x72: {  	_ =	shalt  }
0x73: {  	_ =	shalt  }
0x74: {  	_ =	shalt  }
0x75: {  	_ =	shalt  }
0x76: {  	_ =	shalt  }
0x77: {  	_ =	shalt  }
0x78: {  	_ =	shalt  }
0x79: {  	_ =	shalt  }
0x7a: {  	_ =	shalt  }
0x7b: {  	_ =	shalt  }
0x7c: {  	_ =	shalt  }
0x7d: {  	_ =	shalt  }
0x7e: {  	_ =	shalt  }
0x7f: {  	_ =	shalt  }
0x80: {  	_ =	shalt  }
0x81: {  	_ =	shalt  }
0x82: {  	_ =	shalt  }
0x83: {  	_ =	shalt  }
0x84: {  	_ =	shalt  }
0x85: {  	_ =	shalt  }
0x86: {  	_ =	shalt  }
0x87: {  	_ =	shalt  }
.Lfunc_end0:
.L_simem_size_0:
called_computation_lowered:
.L_overlay_start_0:
0x88: {  	s2 =	sld [smem:$0x3FD9]  }
0x89: {  	s3 =	sld [smem:$0x3FFE];
	_ =	sdelay $0x1  }
0x8a: {  	s1 =	srdreg.scid  }
0x8b: {  	s0 =	sand.u32 $0x1, s1  }
0x8c: {  	s18 =	sshll.u32 s0, $0xA;
	s2 =	sadd.s32 s3, s2  }
0x8d: {  	s2 =	sadd.s32 s2, s18  }
0x8e: {  	[smem:$0x3FC6] =	sst s2  }
0x8f: {  	_ = 	snop  }
0x90: {  	s2 =	sld [smem:$0x3FC9]  }
0x91: {  	s19 =	sld [smem:$0x3FC8]  }
0x92: {  	s4 =	sld [smem:$0x3FD0];
	(tm) =	ssettm $0x1  }
0x93: {  	s5 =	sld [smem:$0x3FFB];
	_ =	sdelay $0x3  }
0x94: {  	_ =	strace s5  }
0x95: {  	s5 =	sld [smem:$0x3FFC];
	_ =	sdelay $0x3  }
0x96: {  	_ =	strace s5  }
0x97: {  	s5 =	sld [smem:$0x3FFD];
	_ =	sdelay $0x3  }
0x98: {  	_ =	strace s5  }
0x99: {  	_ =	strace $0x8FFFFFFF  }
0x9a: {  	s20 =	sld [smem:$0x3FDB];
	_ =	sdelay $0x1  }
0x9b: {  	s6 =	simm.s32 $_scs_section_size  }
0x9c: {  	s7 =	simm.s32 $_size__tile_overlayer_lowered;
	s8 =	simm.s32 $_tile_overlayer_lowered  }
0x9d: {  	s23 =	simm.s32 $0x1BFF;
	s22 =	sshll.u32 s8, $0x1;
	s5 =	sadd.s32 s6, s20  }
0x9e: {  	s9 =	simm.s32 $0x0;
	s21 =	sshll.u32 s7, $0x1;
	s7 =	sadd.s32 s22, s5  }
0x9f: {  	[timem:s9], [sflag:s23] =	dma.local [hbm:s7], s21  }
0xa0: {  	_ =	swait.ge [sflag:s23], s21  }
0xa1: {  	s6 =	ssub.s32 $0x0, s21;
	[sflag:s23] =	ssyncset.done $0x0  }
0xa2: {  	[sflag:s23] =	ssyncadd.s32 s6;
	_ =	sdelay $0x1  }
0xa3: {  	s24 =	simm.s32 $0x1B8B  }
0xa4: {  	_ =	swait.ge [sflag:s24], $0x1  }
0xa5: {  	[sflag:s24] =	ssyncset.done $0x0  }
0xa6: {  	s25 =	simm.s32 $0x1B8E;
	[sflag:s24] =	ssyncadd.s32 $0xFFFFFFFF  }
0xa7: {  	s26 =	simm.s32 $execute0_lowered;
	[smem:$0x3FD2] =	sst s25  }
0xa8: {  	s6 =	sshll.u32 s26, $0x1;
	_ =	strace $0x80000046;
	[dreg:$0x1] =	wrdreg $0xFFFFFFFF  }
0xa9: {  	s28 =	simm.s32 $_size_execute0_lowered;
	s5 =	sadd.s32 s5, s6;
	[dreg:$0x0] =	wrdreg $0x0  }
0xaa: {  	s6 =	sshll.u32 s28, $0x1;
	[dreg:$0x2] =	wrdreg s5  }
0xab: {  	[dreg:$0x3] =	wrdreg s6  }
0xac: {  	[dreg:$0x4] =	wrdreg $0xC0  }
0xad: {  	_ =	task [dreg:s9], $0x5FFFF  }
0xae: {  	[dreg:$0x1] =	wrdreg $0xFFFFFFFF  }
0xaf: {  	[dreg:$0x0] =	wrdreg $0x60  }
0xb0: {  	[dreg:$0x2] =	wrdreg s2  }
0xb1: {  	[dreg:$0x3] =	wrdreg s19  }
0xb2: {  	[dreg:$0x4] =	wrdreg s4  }
0xb3: {  	[dreg:$0x5] =	wrdreg $0x9  }
0xb4: {  	_ =	task.clear_ibuf [dreg:s9], $0x6FFFF;
	_ =	strace $0x90000046  }
0xb5: {  	s29 =	simm.s32 $0x9;
	_ =	strace $0x80000048  }
0xb6: {  	_ =	swait.ge [sflag:s29], $0x1  }
0xb7: {  	[sflag:s29] =	ssyncadd.s32 $0xFFFFFFFF  }
0xb8: {  	_ =	strace $0x90000048  }
0xb9: {  	_ =	sfence  }
0xba: {  	s30 =	sld [smem:$0x0];
	_ =	sdelay $0x2  }
0xbb: {  	s31 =	sshll.u32 s1, $0xD;
	s1 =	sshrl.u32 s1, $0x2  }
0xbc: {  	s3 =	sand.u32 $0x4000, s31;
	s1 =	sadd.s32 s1, s30  }
0xbd: {  	s0 =	sor.u32 s3, s0;
	s1 =	sshll.u32 s1, $0x11  }
0xbe: {  	s0 =	sor.u32 s1, s0  }
0xbf: {  	s0 =	sadd.s32 $0x8F2B, s0  }
0xc0: {  	[sflag:s0] =	ssyncadd.remote.s32 $0x1  }
0xc1: {  	_ =	sfence.sel $0xFFFF  }
0xc2: {  	[dreg:$0x0] =	wrdreg $0xFFFFFFFF;
	(pc) =	sbr.abs _section_cstart, $3  }
0xc3: {  	[dreg:$0x1] =	wrdreg $0xFFFFFFFF  }
0xc4: {  	_ =	task.clear_ibuf [dreg:s9], $0x2FFFF;
	_ =	strace $0x9FFFFFFF  }
0xc5: {  	(tm) =	ssettm $0x7FFFFFFF  }
tec
execute0_lowered:
.L_overlay_start_1:
0x0: {  	(tag) =	ssettag $0x1  }
0x1: {  	s0 =	rddreg [dreg:$0x0]  }
0x2: {  	s2 =	rddreg [dreg:$0x1]  }
0x3: {  	s3 =	rddreg [dreg:$0x2];
	s1 =	srdreg.scid  }
0x4: {  	s4 =	stileid.u32;
	s12 =	simm.s32 $0xB;
	s13 =	simm.s32 $0x40  }
0x5: {  	s14 =	simm.s32 $0x1C00;
	s15 =	simm.s32 $0x3C00;
	s17 =	simm.s32 $0x5C00  }
0x6: {  	s19 =	simm.s32 $0x7C00;
	s21 =	simm.s32 $0x9C00;
	s22 =	simm.s32 $0x1  }
0x7: {  	s23 =	simm.s32 $0x2;
	s24 =	simm.s32 $0x3;
	s28 =	simm.s32 $0x6  }
0x8: {  	s29 =	simm.s32 $0x7;
	s30 =	simm.s32 $0x8;
	s31 =	simm.s32 $0x9  }
0x9: {  	s1 =	sand.u32 $0x1, s1;
	s5 =	sshll.u32 s4, $0x8;
	s4 =	simm.s32 $0x0  }
0xa: {  	s6 =	ssub.s32 $0x2, s1;
	s1 =	sshll.u32 s1, $0x7;
	[smem:$0x7FF] =	sst s4  }
.Ltmp0:
0xb: {  	s7 =	sshrl.u32 s6, $0x1;
	s5 =	sor.u32 s1, s5;
	(pc) =	sbr.rel .LBB2_1-.Ltmp0, $4  }
0xc: {  	_ =	strace $0x80000047;
	s1 =	simm.s32 $0x0;
	s0 =	sadd.s32 s0, s5  }
0xd: {  	s25 =	ssub.s32 s6, s7;
	[dreg:$0x4] =	wrdreg s0;
	s0 =	sadd.s32 $0x6000, s0  }
0xe: {  	s26 =	smax.u32 s25, $0x1;
	s25 =	simm.s32 $0x4;
	[dreg:$0x5] =	wrdreg s0  }
0xf: {  	[dreg:$0x6] =	wrdreg s26;
	s26 =	simm.s32 $0x5;
	s0 =	simm.s32 $0xA  }
.LBB2_4:
0x10: {  	_ =	swait.ge [sflag:s29], $0x2000  }
0x11: {  	[sflag:s29] =	ssyncset.done $0x0  }
0x12: {  	[sflag:s29] =	ssyncadd.s32 $0xFFFFE000  }
0x13: {  	_ =	swait.ge [sflag:s30], $0x2000  }
0x14: {  	[sflag:s30] =	ssyncset.done $0x0  }
0x15: {  	[sflag:s30] =	ssyncadd.s32 $0xFFFFE000  }
0x16: {  	_ =	swait.ge [sflag:s31], $0x2000  }
0x17: {  	[sflag:s31] =	ssyncset.done $0x0  }
0x18: {  	[sflag:s31] =	ssyncadd.s32 $0xFFFFE000  }
0x19: {  	_ =	swait.ge [sflag:s0], $0x2000  }
0x1a: {  	s1 =	sadd.s32 $0x1, s1;
	s6 =	rddreg [dreg:$0x6]  }
0x1b: {  	p0 =	sne.s32 s1, s6  }
.Ltmp1:
0x1c: {  	_ = 	snop;
	(pc) =	sbr.rel @!p0 .LBB2_5-.Ltmp1, $3  }
0x1d: {  	_ =	sdelay $0x1  }
0x1e: {  	[sflag:s0] =	ssyncset.done $0x0  }
0x1f: {  	[sflag:s0] =	ssyncadd.s32 $0xFFFFE000  }
.LBB2_1:
0x20: {  	s6 =	rddreg [dreg:$0x4];
	s7 =	simm.s32 $0x400;
	s8 =	simm.s32 $0x8000  }
0x21: {  	[tilespmem:s4], [sflag:$0xB] =	stream.strided.gather [hbm4b:s6+s7], $0x1800, s8, s7, $0x38;
	[tilespmem:$0xBC00] =	vst v63  }
0x22: {  	s10 =	rddreg [dreg:$0x5];
	s11 =	simm.s32 $0x1800  }
0x23: {  	[tilespmem:s11], [sflag:$0xB] =	stream.linear.gather [hbm4b:s10+s4], $0x100, $0x38;
	[tilespmem:$0xBC00] =	vst v63  }
0x24: {  	_ =	swait.ge [sflag:s12], $0x1900  }
0x25: {  	[sflag:s12] =	ssyncset.done $0x0  }
0x26: {  	[sflag:s12] =	ssyncadd.s32 $0xFFFFE700  }
0x27: {  	[tilespmem:s14], [sflag:$0x1] =	stream.indirect.gather [hbm4b:s2+s13], $0x80, s4, s13, $0xb8;
	[tilespmem:$0xBC00] =	vst v63  }
0x28: {  	_ = 	snop  }
0x29: {  	[tilespmem:s15], [sflag:$0x2] =	stream.indirect.gather [hbm4b:s2+s13], $0x80, s13, s13, $0xb8;
	[tilespmem:$0xBC00] =	vst v63  }
0x2a: {  	s16 =	simm.s32 $0x80;
	s18 =	simm.s32 $0xC0  }
0x2b: {  	[tilespmem:s17], [sflag:$0x3] =	stream.indirect.gather [hbm4b:s2+s13], $0x80, s16, s13, $0xb8;
	[tilespmem:$0xBC00] =	vst v63  }
0x2c: {  	s20 =	simm.s32 $0x100;
	s9 =	simm.s32 $0x900;
	s10 =	simm.s32 $0x240  }
0x2d: {  	[tilespmem:s19], [sflag:$0x4] =	stream.indirect.gather [hbm4b:s2+s13], $0x80, s18, s13, $0xb8;
	[tilespmem:$0xBC00] =	vst v63  }
0x2e: {  	s11 =	simm.s32 $0x18000;
	s16 =	simm.s32 $0x100000;
	s18 =	simm.s32 $0x0  }
0x2f: {  	[tilespmem:s21], [sflag:$0x5] =	stream.indirect.gather [hbm4b:s2+s13], $0x80, s20, s13, $0xb8;
	[tilespmem:$0xBC00] =	vst v63  }
.LBB2_2:
0x30: {  	s20 =	sand.u32 $0x40, s18  }
0x31: {  	s7 =	sadd.s32 $0xFFF00000, s16;
	s8 =	sor.u32 s5, s20  }
0x32: {  	s7 =	sand.u32 $0x3F80000, s7;
	s8 =	sshll.u32 s8, $0x7  }
0x33: {  	_ =	swait.ge [sflag:s22], $0x2000;
	s7 =	sor.u32 s7, s8  }
0x34: {  	[sflag:s22] =	ssyncset.done $0x0;
	s7 =	sshrl.u32 s7, $0x3  }
0x35: {  	[sflag:s22] =	ssyncadd.s32 $0xFFFFE000;
	s7 =	sadd.s32 s3, s7  }
0x36: {  	[hbm4b:s7+s4] =	stream.linear.scatter [tilespmem:s14], [sflag:$0x6], $0x2000, $0x38;
	[tilespmem:$0xBC00] =	vst v63  }
0x37: {  	s7 =	sadd.s32 $0xFFFFFE00, s10  }
0x38: {  	s6 =	sadd.s32 $0xFFFF0000, s11;
	s7 =	sand.u32 $0x40, s7  }
0x39: {  	s6 =	sand.u32 $0xFF0000, s6;
	_ =	swait.ge [sflag:s23], $0x2000;
	s7 =	sor.u32 s5, s7  }
0x3a: {  	s6 =	sadd.s32 s3, s6;
	[sflag:s23] =	ssyncset.done $0x0;
	s7 =	sshll.u32 s7, $0x4  }
0x3b: {  	[sflag:s23] =	ssyncadd.s32 $0xFFFFE000;
	s6 =	sadd.s32 s7, s6;
	s7 =	sadd.s32 $0xFFF80000, s16  }
0x3c: {  	[hbm4b:s6+s4] =	stream.linear.scatter [tilespmem:s15], [sflag:$0x7], $0x2000, $0x38;
	[tilespmem:$0xBC00] =	vst v63  }
0x3d: {  	s6 =	sand.u32 $0x7F80000, s7  }
0x3e: {  	_ =	swait.ge [sflag:s24], $0x2000;
	s6 =	sor.u32 s6, s8  }
0x3f: {  	[sflag:s24] =	ssyncset.done $0x0;
	s6 =	sshrl.u32 s6, $0x3  }
0x40: {  	s7 =	sadd.s32 $0xFFFFFE80, s10;
	[sflag:s24] =	ssyncadd.s32 $0xFFFFE000;
	s6 =	sadd.s32 s3, s6  }
0x41: {  	[hbm4b:s6+s4] =	stream.linear.scatter [tilespmem:s17], [sflag:$0x8], $0x2000, $0x38;
	[tilespmem:$0xBC00] =	vst v63  }
0x42: {  	s6 =	sand.u32 $0x40, s7  }
0x43: {  	s7 =	sand.u32 $0xFF0000, s11;
	_ =	swait.ge [sflag:s25], $0x2000;
	s6 =	sor.u32 s5, s6  }
0x44: {  	s7 =	sadd.s32 s3, s7;
	[sflag:s25] =	ssyncset.done $0x0;
	s6 =	sshll.u32 s6, $0x4  }
0x45: {  	[sflag:s25] =	ssyncadd.s32 $0xFFFFE000;
	s6 =	sadd.s32 s6, s7;
	s7 =	sand.u32 $0x7F80000, s16  }
0x46: {  	[hbm4b:s6+s4] =	stream.linear.scatter [tilespmem:s19], [sflag:$0x9], $0x2000, $0x38;
	[tilespmem:$0xBC00] =	vst v63  }
0x47: {  	s6 =	sor.u32 s7, s8;
	_ =	swait.ge [sflag:s26], $0x2000  }
0x48: {  	p0 =	seq.s32 s9, $0x6800;
	s6 =	sshrl.u32 s6, $0x3;
	[sflag:s26] =	ssyncset.done $0x0  }
.Ltmp2:
0x49: {  	s6 =	sadd.s32 s3, s6;
	[sflag:s26] =	ssyncadd.s32 $0xFFFFE000;
	(pc) =	sbr.rel @p0 .LBB2_4-.Ltmp2, $4  }
0x4a: {  	[hbm4b:s6+s4] =	stream.linear.scatter [tilespmem:s21], [sflag:$0xA], $0x2000, $0x38;
	[tilespmem:$0xBC00] =	vst v63  }
0x4b: {  	_ =	swait.ge [sflag:s28], $0x2000  }
0x4c: {  	[sflag:s28] =	ssyncset.done $0x0  }
0x4d: {  	[sflag:s28] =	ssyncadd.s32 $0xFFFFE000  }
0x4e: {  	s6 =	sadd.s32 $0xFFFFFC00, s9  }
0x4f: {  	s7 =	sadd.s32 $0xFFFFFF00, s10;
	s6 =	sand.u32 $0x1FE00, s6  }
0x50: {  	s7 =	sand.u32 $0x40, s7;
	s6 =	sshrl.u32 s6, $0x2  }
0x51: {  	s8 =	sadd.s32 $0xFFFFFD00, s9;
	s6 =	sor.u32 s7, s6  }
0x52: {  	[tilespmem:s14], [sflag:$0x1] =	stream.indirect.gather [hbm4b:s2+s13], $0x80, s6, s13, $0xb8;
	[tilespmem:$0xBC00] =	vst v63  }
0x53: {  	s6 =	sand.u32 $0x1FE00, s8;
	_ =	swait.ge [sflag:s29], $0x2000  }
0x54: {  	s6 =	sshrl.u32 s6, $0x2;
	[sflag:s29] =	ssyncset.done $0x0  }
0x55: {  	s7 =	sadd.s32 $0xFFFFFE00, s9;
	s6 =	sor.u32 s20, s6;
	[sflag:s29] =	ssyncadd.s32 $0xFFFFE000  }
0x56: {  	[tilespmem:s15], [sflag:$0x2] =	stream.indirect.gather [hbm4b:s2+s13], $0x80, s6, s13, $0xb8;
	[tilespmem:$0xBC00] =	vst v63  }
0x57: {  	s8 =	sadd.s32 $0xFFFFFF80, s10;
	s6 =	sand.u32 $0x1FE00, s7;
	_ =	swait.ge [sflag:s30], $0x2000  }
0x58: {  	s7 =	sand.u32 $0x40, s8;
	s6 =	sshrl.u32 s6, $0x2;
	[sflag:s30] =	ssyncset.done $0x0  }
0x59: {  	s6 =	sor.u32 s7, s6;
	s7 =	sadd.s32 $0xFFFFFF00, s9;
	[sflag:s30] =	ssyncadd.s32 $0xFFFFE000  }
0x5a: {  	[tilespmem:s17], [sflag:$0x3] =	stream.indirect.gather [hbm4b:s2+s13], $0x80, s6, s13, $0xb8;
	[tilespmem:$0xBC00] =	vst v63  }
0x5b: {  	s6 =	sand.u32 $0x1FE00, s7;
	_ =	swait.ge [sflag:s31], $0x2000  }
0x5c: {  	s6 =	sshrl.u32 s6, $0x2;
	[sflag:s31] =	ssyncset.done $0x0  }
0x5d: {  	s11 =	sadd.s32 $0x28000, s11;
	s6 =	sor.u32 s20, s6;
	[sflag:s31] =	ssyncadd.s32 $0xFFFFE000  }
0x5e: {  	[tilespmem:s19], [sflag:$0x4] =	stream.indirect.gather [hbm4b:s2+s13], $0x80, s6, s13, $0xb8;
	[tilespmem:$0xBC00] =	vst v63  }
.Ltmp3:
0x5f: {  	s18 =	sadd.s32 $0x40, s18;
	s16 =	sadd.s32 $0x140000, s16;
	(pc) =	sbr.rel .LBB2_2-.Ltmp3, $4  }
0x60: {  	s8 =	sand.u32 $0x1FE00, s9;
	s9 =	sadd.s32 $0x500, s9;
	_ =	swait.ge [sflag:s0], $0x2000  }
0x61: {  	s20 =	sand.u32 $0x40, s10;
	s6 =	sshrl.u32 s8, $0x2;
	[sflag:s0] =	ssyncset.done $0x0  }
0x62: {  	s10 =	sadd.s32 $0x140, s10;
	s6 =	sor.u32 s20, s6;
	[sflag:s0] =	ssyncadd.s32 $0xFFFFE000  }
0x63: {  	[tilespmem:s21], [sflag:$0x5] =	stream.indirect.gather [hbm4b:s2+s13], $0x80, s6, s13, $0xb8;
	[tilespmem:$0xBC00] =	vst v63  }
.LBB2_5:
0x64: {  	_ =	sfence.sel $0x180000  }
0x65: {  	[bflag:$0x0] =	sbarrier.arrive $0xFFFF  }
0x66: {  	_ =	strace $0x90000047  }
0x67: {  	s0 =	stileid.u32;
	[bflag:$0x2] =	sbarrier.arrive $0xFFFF  }
0x68: {  	p0 =	sne.s32 s0, $0x0;
	s0 =	rddreg [dreg:$0x3]  }
0x69: {  	s0 =	sadd.s32 @!p0 $0x100000, s0  }
0x6a: {  	[sflag:s0] =	ssyncadd.tile.s32 @!p0 $0x1;
	_ =	shalt  }
.Lfunc_end2:
_tile_overlayer_lowered:
.L_overlay_start_2:
0x6b: {  	(tag) =	ssettag $0x2  }
0x6c: {  	s0 =	rddreg [dreg:$0x0];
	s2 =	stileid.u32  }
0x6d: {  	s1 =	rddreg [dreg:$0x1];
	p0 =	sne.s32 s2, $0x0  }
0x6e: {  	s3 =	rddreg [dreg:$0x2];
	[bflag:$0x3] =	sbarrier.arrive $0xFFFF;
	s2 =	simm.s32 @!p0 $0x1C0B  }
0x6f: {  	[timem:s3], [sflag:s2] =	dma.local @!p0 [hbm:s0], s1  }
0x70: {  	s0 =	simm.s32 @!p0 $0xB  }
0x71: {  	_ =	swait.ge @!p0 [sflag:s0], s1  }
0x72: {  	s1 =	ssub.s32 @!p0 $0x0, s1;
	[sflag:s0] =	ssyncset.done @!p0 $0x0  }
0x73: {  	[sflag:s0] =	ssyncadd.s32 @!p0 s1  }
0x74: {  	[bflag:$0x3] =	sbarrier.arrive $0xFFFF  }
0x75: {  	_ =	shalt  }

</sc_bundles>
